<compile_context>
chip_gen: v7x
topology: tpu7x:2x2x1
jax: 0.10.2.dev20260603
libtpu: 0.0.44.dev20260713+nightly
codegen_flags: <defaults>
</compile_context>

<pallas_src>
import functools

import jax
import jax.numpy as jnp
from jax import lax
from jax.experimental import pallas as pl
from jax.experimental.pallas import tpu as pltpu
from jax.experimental.pallas import tpu_sc as plsc

HIDDEN = 768
INTER = 768
NUM_EXPERTS = 16
TOP_K = 2
TOKENS = 32
SWIGLU_LIMIT = 7.0
ALPHA = 1.702
EPS = 1e-5


def _tc_head_kernel(x_ref, scale_ref, gw_ref, gb_ref, t_ref, g_ref):
    x = x_ref[...]
    ms = jnp.mean(x * x, axis=1, keepdims=True)
    t = x * lax.rsqrt(ms + EPS) * scale_ref[...]
    g = lax.dot_general(t, gw_ref[...], (((1,), (1,)), ((), ())),
                        preferred_element_type=jnp.float32) + gb_ref[...]
    t_ref[...] = t
    g_ref[...] = g


def _sc_router_body(g_hbm, c_hbm, gv, cv):
    wid = lax.axis_index("s") * 2 + lax.axis_index("c")
    pltpu.sync_copy(g_hbm.at[wid], gv)
    v = gv[...]
    ii = lax.iota(jnp.int32, NUM_EXPERTS)
    m1 = jnp.max(v)
    i1 = jnp.min(jnp.where(v == m1, ii, NUM_EXPERTS))
    v2 = jnp.where(ii == i1, -jnp.inf, v)
    m2 = jnp.max(v2)
    i2 = jnp.min(jnp.where(v2 == m2, ii, NUM_EXPERTS))
    b = jnp.exp(jnp.broadcast_to(m2 - m1, (NUM_EXPERTS,)))
    w1 = 1.0 / (1.0 + b)
    w2 = b / (1.0 + b)
    cv[...] = jnp.where(ii == i1, w1, 0.0) + jnp.where(ii == i2, w2, 0.0)
    pltpu.sync_copy(cv, c_hbm.at[wid])


def _tc_sweep_kernel(t_ref, w1_ref, b1_ref, w2_ref, b2_ref, y_ref, s_s):
    e = pl.program_id(0)

    @pl.when(e == 0)
    def _():
        rows = lax.broadcasted_iota(jnp.int32, (256, 128), 0)
        cols = lax.broadcasted_iota(jnp.int32, (256, 128), 1)
        s_s[...] = jnp.where(rows == 2 * cols, 1.0, 0.0)

    t = t_ref[...]
    h = lax.dot_general(t, w1_ref[0], (((1,), (1,)), ((), ())),
                        preferred_element_type=jnp.float32)
    h = h + b1_ref[pl.ds(e, 1), :]
    hs = pltpu.roll(h, 2 * INTER - 1, 1)
    hg = jnp.minimum(h, SWIGLU_LIMIT)
    hl = jnp.clip(hs, -SWIGLU_LIMIT, SWIGLU_LIMIT)
    v = hg * jax.nn.sigmoid(ALPHA * hg) * (hl + 1.0)
    sb = s_s[...]
    act = jnp.concatenate(
        [lax.dot_general(v[:, 256 * j:256 * (j + 1)], sb,
                         (((1,), (0,)), ((), ())),
                         preferred_element_type=jnp.float32)
         for j in range(2 * INTER // 256)], axis=1)
    y = lax.dot_general(act, w2_ref[0], (((1,), (1,)), ((), ())),
                        preferred_element_type=jnp.float32)
    y_ref[0] = y + b2_ref[pl.ds(e, 1), :]


def _tc_combine_kernel(x_ref, c_ref, y_ref, o_ref):
    acc = x_ref[...]
    c = c_ref[...]
    ii = lax.broadcasted_iota(jnp.int32, (TOKENS, NUM_EXPERTS), 1)
    for e in range(NUM_EXPERTS):
        ce = jnp.sum(c * jnp.where(ii == e, 1.0, 0.0), axis=1, keepdims=True)
        acc = acc + ce * y_ref[e]
    o_ref[...] = acc


@jax.jit
def kernel(x, norm_scale, gate_w, gate_b, mlp1_w, mlp1_b, mlp2_w, mlp2_b):
    t, g = pl.pallas_call(
        _tc_head_kernel,
        out_shape=(
            jax.ShapeDtypeStruct((TOKENS, HIDDEN), jnp.float32),
            jax.ShapeDtypeStruct((TOKENS, NUM_EXPERTS), jnp.float32),
        ),
    )(x, norm_scale.reshape(1, HIDDEN), gate_w, gate_b.reshape(1, NUM_EXPERTS))

    sc_router = functools.partial(
        pl.kernel,
        out_type=jax.ShapeDtypeStruct((TOKENS, NUM_EXPERTS), jnp.float32),
        mesh=plsc.VectorSubcoreMesh(core_axis_name="c", subcore_axis_name="s"),
        scratch_types=[
            pltpu.VMEM((NUM_EXPERTS,), jnp.float32),
            pltpu.VMEM((NUM_EXPERTS,), jnp.float32),
        ],
        compiler_params=pltpu.CompilerParams(needs_layout_passes=False),
    )(_sc_router_body)
    c = sc_router(g)

    y_all = pl.pallas_call(
        _tc_sweep_kernel,
        grid=(NUM_EXPERTS,),
        in_specs=[
            pl.BlockSpec((TOKENS, HIDDEN), lambda e: (0, 0)),
            pl.BlockSpec((1, 2 * INTER, HIDDEN), lambda e: (e, 0, 0)),
            pl.BlockSpec((NUM_EXPERTS, 2 * INTER), lambda e: (0, 0)),
            pl.BlockSpec((1, HIDDEN, INTER), lambda e: (e, 0, 0)),
            pl.BlockSpec((NUM_EXPERTS, HIDDEN), lambda e: (0, 0)),
        ],
        out_specs=pl.BlockSpec((1, TOKENS, HIDDEN), lambda e: (e, 0, 0)),
        out_shape=jax.ShapeDtypeStruct((NUM_EXPERTS, TOKENS, HIDDEN),
                                       jnp.float32),
        scratch_shapes=[
            pltpu.VMEM((256, 128), jnp.float32),
        ],
        compiler_params=pltpu.CompilerParams(
            dimension_semantics=("arbitrary",),
        ),
    )(t, mlp1_w, mlp1_b, mlp2_w, mlp2_b)

    out = pl.pallas_call(
        _tc_combine_kernel,
        out_shape=jax.ShapeDtypeStruct((TOKENS, HIDDEN), jnp.float32),
    )(x, c, y_all)
    return out

# --- scband reference (transcript-rebuilt; emitter-appended) ---
"""Pipeline reference for scband-lazy-mlpblock-48009144434822 (READ-ONLY COPY).

The authoritative reference and input builder live on the scoring server;
editing this copy changes nothing except your own understanding.
"""

import jax, jax.numpy as jnp
import numpy as np

HIDDEN = 768
INTER = 768
NUM_EXPERTS = 16
TOP_K = 2
TOKENS = 32
SWIGLU_LIMIT = 7.0
ALPHA = 1.702
EPS = 1e-5


def setup_inputs(seed: int = 0) -> dict:
    key = jax.random.key(seed)
    ks = jax.random.split(key, 8)
    x = jax.random.normal(ks[0], (TOKENS, HIDDEN), dtype=jnp.float32)
    norm_scale = jnp.ones((HIDDEN,), dtype=jnp.float32)
    gate_w = jax.random.normal(ks[1], (NUM_EXPERTS, HIDDEN), dtype=jnp.float32) * 0.02
    gate_b = jnp.zeros((NUM_EXPERTS,), dtype=jnp.float32)
    mlp1_w = jax.random.normal(ks[2], (NUM_EXPERTS, 2 * INTER, HIDDEN), dtype=jnp.float32) * 0.02
    mlp1_b = jnp.zeros((NUM_EXPERTS, 2 * INTER), dtype=jnp.float32)
    mlp2_w = jax.random.normal(ks[3], (NUM_EXPERTS, HIDDEN, INTER), dtype=jnp.float32) * 0.02
    mlp2_b = jnp.zeros((NUM_EXPERTS, HIDDEN), dtype=jnp.float32)
    return {
        'x': x,
        'norm_scale': norm_scale,
        'gate_w': gate_w,
        'gate_b': gate_b,
        'mlp1_w': mlp1_w,
        'mlp1_b': mlp1_b,
        'mlp2_w': mlp2_w,
        'mlp2_b': mlp2_b,
    }


def reference(x, norm_scale, gate_w, gate_b, mlp1_w, mlp1_b, mlp2_w, mlp2_b):
    # RMSNorm
    t = x * jax.lax.rsqrt(jnp.mean(x * x, axis=-1, keepdims=True) + EPS) * norm_scale
    # Router gate (Linear)
    g = t @ gate_w.T + gate_b
    # top-k expert selection (sorted=True) + softmax over selected experts
    vals, idx = jax.lax.top_k(g, TOP_K)
    expert_weights = jax.nn.softmax(vals, axis=1)
    # Lazy expert gather (full_tensor[expert_indices]) -> (b, k, 2*inter, hidden)
    w1 = jnp.take(mlp1_w, idx, axis=0)
    b1 = jnp.take(mlp1_b, idx, axis=0)
    t_mlp1 = jnp.einsum('beck,bk->bec', w1, t) + b1
    # swiglu with interleaved glu/linear halves and clamping limit
    x_glu = t_mlp1[..., ::2]
    x_lin = t_mlp1[..., 1::2]
    x_glu = jnp.clip(x_glu, None, SWIGLU_LIMIT)
    x_lin = jnp.clip(x_lin, -SWIGLU_LIMIT, SWIGLU_LIMIT)
    t_act = x_glu * jax.nn.sigmoid(ALPHA * x_glu) * (x_lin + 1.0)
    # down projection per selected expert
    w2 = jnp.take(mlp2_w, idx, axis=0)
    b2 = jnp.take(mlp2_b, idx, axis=0)
    t_mlp2 = jnp.einsum('beck,bek->bec', w2, t_act) + b2
    # weighted combine over experts
    t_out = jnp.einsum('bec,be->bc', t_mlp2, expert_weights)
    return x + t_out

if __name__ == "__main__":
    import jax
    _d = setup_inputs()
    print(jax.jit(kernel)(*tuple(_d.values())))

</pallas_src>

<mosaic_0001>
#map = affine_map<(d0, d1) -> (0, 0)>
module attributes {stable_mosaic.version = 14 : i64} {
  func.func @_sc_router_body(%arg0: i32, %arg1: i32, %arg2: memref<32x16xf32, #tpu.memory_space<hbm>>, %arg3: memref<32x16xf32, #tpu.memory_space<hbm>>, %arg4: memref<16xf32, #tpu.memory_space<vmem>>, %arg5: memref<16xf32, #tpu.memory_space<vmem>>) attributes {dimension_semantics = [#tpu.dimension_semantics<core_parallel>, #tpu.dimension_semantics<subcore_parallel>], iteration_bounds = array<i64: 2, 16>, scalar_prefetch = 0 : i64, scratch_operands = 2 : i64, tpu.core_type = #tpu.core_type<sc_vector_subcore>, window_params = [{transform_indices = #map}, {transform_indices = #map}]} {
    %mul3A = arith.constant 2 : i32
    %mul3A_0 = arith.muli %arg1, %mul3A : i32
    %add3A = arith.addi %mul3A_0, %arg0 : i32
    "tpu.region"() ({
      %run_scoped3A = tpu.sem_alloc : memref<!tpu.dma_semaphore, #tpu.memory_space<semaphore_mem>>
      %dma_start3A = arith.constant 0 : i32
      %dma_start3A_57 = tpu.memref_slice %arg2[%add3A, %dma_start3A] : memref<32x16xf32, #tpu.memory_space<hbm>> -> memref<1x16xf32, #tpu.memory_space<hbm>>
      %dma_start3A_58 = tpu.memref_squeeze %dma_start3A_57 : memref<1x16xf32, #tpu.memory_space<hbm>> -> memref<16xf32, #tpu.memory_space<hbm>>
      %dma_start3A_59 = arith.constant 0 : i32
      %dma_start3A_60 = tpu.memref_slice %arg2[%add3A, %dma_start3A_59] : memref<32x16xf32, #tpu.memory_space<hbm>> -> memref<1x16xf32, #tpu.memory_space<hbm>>
      %dma_start3A_61 = tpu.memref_squeeze %dma_start3A_60 : memref<1x16xf32, #tpu.memory_space<hbm>> -> memref<16xf32, #tpu.memory_space<hbm>>
      tpu.enqueue_dma source(%dma_start3A_61 : memref<16xf32, #tpu.memory_space<hbm>>) target(%arg4 : memref<16xf32, #tpu.memory_space<vmem>>) target_semaphore(%run_scoped3A : memref<!tpu.dma_semaphore, #tpu.memory_space<semaphore_mem>>)
      %dma_wait3A = arith.constant 0 : i32
      %dma_wait3A_62 = tpu.memref_slice %arg2[%add3A, %dma_wait3A] : memref<32x16xf32, #tpu.memory_space<hbm>> -> memref<1x16xf32, #tpu.memory_space<hbm>>
      %dma_wait3A_63 = tpu.memref_squeeze %dma_wait3A_62 : memref<1x16xf32, #tpu.memory_space<hbm>> -> memref<16xf32, #tpu.memory_space<hbm>>
      %dma_wait3A_64 = arith.constant 0 : i32
      %dma_wait3A_65 = tpu.memref_slice %arg2[%add3A, %dma_wait3A_64] : memref<32x16xf32, #tpu.memory_space<hbm>> -> memref<1x16xf32, #tpu.memory_space<hbm>>
      %dma_wait3A_66 = tpu.memref_squeeze %dma_wait3A_65 : memref<1x16xf32, #tpu.memory_space<hbm>> -> memref<16xf32, #tpu.memory_space<hbm>>
      tpu.wait_dma2 semaphore(%run_scoped3A : memref<!tpu.dma_semaphore, #tpu.memory_space<semaphore_mem>>) src(%dma_wait3A_66 : memref<16xf32, #tpu.memory_space<hbm>>) dst(%arg4 : memref<16xf32, #tpu.memory_space<vmem>>)
      tpu.yield
    }) : () -> ()
    %get3A = arith.constant 0 : index
    %get3A_1 = tpu.vector_load %arg4[%get3A] {strides = array<i32>} : memref<16xf32, #tpu.memory_space<vmem>>, vector<16xf32>,
    %iota3A = tpu.iota {dimensions = array<i32: 0>} : vector<16xi32>
    %reduce_max3A = arith.constant true
    %reduce_max3A_2 = vector.broadcast %reduce_max3A : i1 to vector<16xi1>
    %reduce_max3A_3 = tpu.scan <max>, %get3A_1 masked %reduce_max3A_2 : vector<16xf32>, vector<16xi1> -> vector<16xf32>
    %reduce_max3A_4 = vector.extract %reduce_max3A_3[15] : f32 from vector<16xf32>
    %eq3A = vector.broadcast %reduce_max3A_4 : f32 to vector<16xf32>
    %eq3A_5 = arith.cmpf oeq, %get3A_1, %eq3A : vector<16xf32>
    %jit3A = arith.constant 16 : i32
    %broadcast_in_dim3A = vector.broadcast %jit3A : i32 to vector<16xi32>
    %select_n3A = arith.select %eq3A_5, %iota3A, %broadcast_in_dim3A : vector<16xi1>, vector<16xi32>
    %reduce_min3A = arith.constant true
    %reduce_min3A_6 = vector.broadcast %reduce_min3A : i1 to vector<16xi1>
    %reduce_min3A_7 = arith.constant -2147483648 : i32
    %reduce_min3A_8 = vector.broadcast %reduce_min3A_7 : i32 to vector<16xi32>
    %reduce_min3A_9 = arith.xori %select_n3A, %reduce_min3A_8 : vector<16xi32>
    %reduce_min3A_10 = tpu.scan <min>, %reduce_min3A_9 masked %reduce_min3A_6 : vector<16xi32>, vector<16xi1> -> vector<16xi32>
    %reduce_min3A_11 = arith.xori %reduce_min3A_10, %reduce_min3A_8 : vector<16xi32>
    %reduce_min3A_12 = vector.extract %reduce_min3A_11[15] : i32 from vector<16xi32>
    %eq3A_13 = vector.broadcast %reduce_min3A_12 : i32 to vector<16xi32>
    %eq3A_14 = arith.cmpi eq, %iota3A, %eq3A_13 : vector<16xi32>
    %jit3A_15 = arith.constant 0xFF800000 : f32
    %broadcast_in_dim3A_16 = vector.broadcast %jit3A_15 : f32 to vector<16xf32>
    %select_n3A_17 = arith.select %eq3A_14, %broadcast_in_dim3A_16, %get3A_1 : vector<16xi1>, vector<16xf32>
    %reduce_max3A_18 = arith.constant true
    %reduce_max3A_19 = vector.broadcast %reduce_max3A_18 : i1 to vector<16xi1>
    %reduce_max3A_20 = tpu.scan <max>, %select_n3A_17 masked %reduce_max3A_19 : vector<16xf32>, vector<16xi1> -> vector<16xf32>
    %reduce_max3A_21 = vector.extract %reduce_max3A_20[15] : f32 from vector<16xf32>
    %eq3A_22 = vector.broadcast %reduce_max3A_21 : f32 to vector<16xf32>
    %eq3A_23 = arith.cmpf oeq, %select_n3A_17, %eq3A_22 : vector<16xf32>
    %jit3A_24 = arith.constant 16 : i32
    %broadcast_in_dim3A_25 = vector.broadcast %jit3A_24 : i32 to vector<16xi32>
    %select_n3A_26 = arith.select %eq3A_23, %iota3A, %broadcast_in_dim3A_25 : vector<16xi1>, vector<16xi32>
    %reduce_min3A_27 = arith.constant true
    %reduce_min3A_28 = vector.broadcast %reduce_min3A_27 : i1 to vector<16xi1>
    %reduce_min3A_29 = arith.constant -2147483648 : i32
    %reduce_min3A_30 = vector.broadcast %reduce_min3A_29 : i32 to vector<16xi32>
    %reduce_min3A_31 = arith.xori %select_n3A_26, %reduce_min3A_30 : vector<16xi32>
    %reduce_min3A_32 = tpu.scan <min>, %reduce_min3A_31 masked %reduce_min3A_28 : vector<16xi32>, vector<16xi1> -> vector<16xi32>
    %reduce_min3A_33 = arith.xori %reduce_min3A_32, %reduce_min3A_30 : vector<16xi32>
    %reduce_min3A_34 = vector.extract %reduce_min3A_33[15] : i32 from vector<16xi32>
    %sub3A = arith.subf %reduce_max3A_21, %reduce_max3A_4 : f32
    %broadcast_in_dim3A_35 = vector.broadcast %sub3A : f32 to vector<16xf32>
    %exp3A = math.exp %broadcast_in_dim3A_35 : vector<16xf32>
    %add3A_36 = arith.constant 1.000000e+00 : f32
    %add3A_37 = vector.broadcast %add3A_36 : f32 to vector<16xf32>
    %add3A_38 = arith.addf %add3A_37, %exp3A : vector<16xf32>
    %div3A = arith.constant 1.000000e+00 : f32
    %div3A_39 = vector.broadcast %div3A : f32 to vector<16xf32>
    %div3A_40 = arith.divf %div3A_39, %add3A_38 : vector<16xf32>
    %add3A_41 = arith.constant 1.000000e+00 : f32
    %add3A_42 = vector.broadcast %add3A_41 : f32 to vector<16xf32>
    %add3A_43 = arith.addf %add3A_42, %exp3A : vector<16xf32>
    %div3A_44 = arith.divf %exp3A, %add3A_43 : vector<16xf32>
    %eq3A_45 = vector.broadcast %reduce_min3A_12 : i32 to vector<16xi32>
    %eq3A_46 = arith.cmpi eq, %iota3A, %eq3A_45 : vector<16xi32>
    %jit3A_47 = arith.constant 0.000000e+00 : f32
    %broadcast_in_dim3A_48 = vector.broadcast %jit3A_47 : f32 to vector<16xf32>
    %select_n3A_49 = arith.select %eq3A_46, %div3A_40, %broadcast_in_dim3A_48 : vector<16xi1>, vector<16xf32>
    %eq3A_50 = vector.broadcast %reduce_min3A_34 : i32 to vector<16xi32>
    %eq3A_51 = arith.cmpi eq, %iota3A, %eq3A_50 : vector<16xi32>
    %jit3A_52 = arith.constant 0.000000e+00 : f32
    %broadcast_in_dim3A_53 = vector.broadcast %jit3A_52 : f32 to vector<16xf32>
    %select_n3A_54 = arith.select %eq3A_51, %div3A_44, %broadcast_in_dim3A_53 : vector<16xi1>, vector<16xf32>
    %add3A_55 = arith.addf %select_n3A_49, %select_n3A_54 : vector<16xf32>
    %swap3A = arith.constant 0 : index
    %swap3A_56 = tpu.vector_load %arg5[%swap3A] {strides = array<i32>} : memref<16xf32, #tpu.memory_space<vmem>>, vector<16xf32>,
    tpu.vector_store %arg5[%swap3A], %add3A_55 {strides = array<i32>} : memref<16xf32, #tpu.memory_space<vmem>>, vector<16xf32>,
    "tpu.region"() ({
      %run_scoped3A = tpu.sem_alloc : memref<!tpu.dma_semaphore, #tpu.memory_space<semaphore_mem>>
      %dma_start3A = arith.constant 0 : i32
      %dma_start3A_57 = tpu.memref_slice %arg3[%add3A, %dma_start3A] : memref<32x16xf32, #tpu.memory_space<hbm>> -> memref<1x16xf32, #tpu.memory_space<hbm>>
      %dma_start3A_58 = tpu.memref_squeeze %dma_start3A_57 : memref<1x16xf32, #tpu.memory_space<hbm>> -> memref<16xf32, #tpu.memory_space<hbm>>
      %dma_start3A_59 = arith.constant 0 : i32
      %dma_start3A_60 = tpu.memref_slice %arg3[%add3A, %dma_start3A_59] : memref<32x16xf32, #tpu.memory_space<hbm>> -> memref<1x16xf32, #tpu.memory_space<hbm>>
      %dma_start3A_61 = tpu.memref_squeeze %dma_start3A_60 : memref<1x16xf32, #tpu.memory_space<hbm>> -> memref<16xf32, #tpu.memory_space<hbm>>
      tpu.enqueue_dma source(%arg5 : memref<16xf32, #tpu.memory_space<vmem>>) target(%dma_start3A_61 : memref<16xf32, #tpu.memory_space<hbm>>) target_semaphore(%run_scoped3A : memref<!tpu.dma_semaphore, #tpu.memory_space<semaphore_mem>>)
      %dma_wait3A = arith.constant 0 : i32
      %dma_wait3A_62 = tpu.memref_slice %arg3[%add3A, %dma_wait3A] : memref<32x16xf32, #tpu.memory_space<hbm>> -> memref<1x16xf32, #tpu.memory_space<hbm>>
      %dma_wait3A_63 = tpu.memref_squeeze %dma_wait3A_62 : memref<1x16xf32, #tpu.memory_space<hbm>> -> memref<16xf32, #tpu.memory_space<hbm>>
      %dma_wait3A_64 = arith.constant 0 : i32
      %dma_wait3A_65 = tpu.memref_slice %arg3[%add3A, %dma_wait3A_64] : memref<32x16xf32, #tpu.memory_space<hbm>> -> memref<1x16xf32, #tpu.memory_space<hbm>>
      %dma_wait3A_66 = tpu.memref_squeeze %dma_wait3A_65 : memref<1x16xf32, #tpu.memory_space<hbm>> -> memref<16xf32, #tpu.memory_space<hbm>>
      tpu.wait_dma2 semaphore(%run_scoped3A : memref<!tpu.dma_semaphore, #tpu.memory_space<semaphore_mem>>) src(%arg5 : memref<16xf32, #tpu.memory_space<vmem>>) dst(%dma_wait3A_66 : memref<16xf32, #tpu.memory_space<hbm>>)
      tpu.yield
    }) : () -> ()
    return
  }
}

module attributes {stable_mosaic.version = 14 : i64} {
  func.func @_tc_sweep_kernel(%arg0: i32, %arg1: memref<32x768xf32, #tpu.memory_space<vmem>>, %arg2: memref<1x1536x768xf32, #tpu.memory_space<vmem>>, %arg3: memref<16x1536xf32, #tpu.memory_space<vmem>>, %arg4: memref<1x768x768xf32, #tpu.memory_space<vmem>>, %arg5: memref<16x768xf32, #tpu.memory_space<vmem>>, %arg6: memref<1x32x768xf32, #tpu.memory_space<vmem>>, %arg7: memref<256x128xf32, #tpu.memory_space<vmem>>) attributes {dimension_semantics = [#tpu.dimension_semantics<arbitrary>], iteration_bounds = array<i64: 16>, scalar_prefetch = 0 : i64, scratch_operands = 1 : i64, tpu.core_type = #tpu.core_type<tc>, window_params = [{pipeline_mode = #tpu.pipeline_mode<synchronous>, transform_indices = @transform_0, window_bounds = array<i64: 32, 768>}, {transform_indices = @transform_1, window_bounds = array<i64: 1, 1536, 768>}, {pipeline_mode = #tpu.pipeline_mode<synchronous>, transform_indices = @transform_2, window_bounds = array<i64: 16, 1536>}, {transform_indices = @transform_3, window_bounds = array<i64: 1, 768, 768>}, {pipeline_mode = #tpu.pipeline_mode<synchronous>, transform_indices = @transform_4, window_bounds = array<i64: 16, 768>}, {transform_indices = @transform_5, window_bounds = array<i64: 1, 32, 768>}]} {
    %eq3A = arith.constant 0 : i32
    %eq3A_0 = arith.cmpi eq, %arg0, %eq3A : i32
    %convert_element_type3A = arith.extui %eq3A_0 : i1 to i32
    %cond3A = arith.constant 0 : i32
    %cond3A_1 = arith.cmpi ne, %convert_element_type3A, %cond3A : i32
    scf.if %cond3A_1 {
      %iota3A = tpu.iota {dimensions = array<i32: 0>} : vector<256x128xi32>
      %iota3A_70 = tpu.iota {dimensions = array<i32: 1>} : vector<256x128xi32>
      %mul3A_71 = arith.constant 2 : i32
      %mul3A_72 = vector.broadcast %mul3A_71 : i32 to vector<256x128xi32>
      %mul3A_73 = arith.muli %mul3A_72, %iota3A_70 : vector<256x128xi32>
      %eq3A_74 = arith.cmpi eq, %iota3A, %mul3A_73 : vector<256x128xi32>
      %jit3A_75 = arith.constant 1.000000e+00 : f32
      %jit3A_76 = arith.constant 0.000000e+00 : f32
      %broadcast_in_dim3A = vector.broadcast %jit3A_75 : f32 to vector<256x128xf32>
      %broadcast_in_dim3A_77 = vector.broadcast %jit3A_76 : f32 to vector<256x128xf32>
      %select_n3A = arith.select %eq3A_74, %broadcast_in_dim3A, %broadcast_in_dim3A_77 : vector<256x128xi1>, vector<256x128xf32>
      %swap3A_78 = arith.constant 0 : index
      %swap3A_79 = arith.constant 0 : index
      %swap3A_80 = vector.load %arg7[%swap3A_78, %swap3A_79] : memref<256x128xf32, #tpu.memory_space<vmem>>, vector<256x128xf32>
      tpu.vector_store %arg7[%swap3A_78, %swap3A_79], %select_n3A {strides = array<i32>} : memref<256x128xf32, #tpu.memory_space<vmem>>, vector<256x128xf32>,
    } else {
    }
    %get3A = arith.constant 0 : index
    %get3A_2 = arith.constant 0 : index
    %get3A_3 = vector.load %arg1[%get3A, %get3A_2] : memref<32x768xf32, #tpu.memory_space<vmem>>, vector<32x768xf32>
    %get3A_4 = arith.constant 0 : index
    %get3A_5 = arith.constant 0 : index
    %get3A_6 = arith.constant 0 : index
    %get3A_7 = vector.load %arg2[%get3A_4, %get3A_5, %get3A_6] : memref<1x1536x768xf32, #tpu.memory_space<vmem>>, vector<1x1536x768xf32>
    %get3A_8 = vector.shape_cast %get3A_7 : vector<1x1536x768xf32> to vector<1536x768xf32>
    %dot_general3A = arith.constant dense<0.000000e+00> : vector<32x1536xf32>
    %dot_general3A_9 = tpu.matmul %get3A_3, %get3A_8, %dot_general3A {dimension_numbers = #tpu.dot_dimension_numbers<[1], [1], [0], [0], [0, 0, 1, 0], [], []>, transpose_lhs_hint = false} : vector<32x768xf32>, vector<1536x768xf32>, vector<32x1536xf32> -> vector<32x1536xf32>
    %get3A_10 = arith.index_cast %arg0 : i32 to index
    %get3A_11 = arith.constant 0 : index
    %get3A_12 = vector.load %arg3[%get3A_10, %get3A_11] : memref<16x1536xf32, #tpu.memory_space<vmem>>, vector<1x1536xf32>
    %add3A = vector.broadcast %get3A_12 : vector<1x1536xf32> to vector<32x1536xf32>
    %add3A_13 = arith.addf %dot_general3A_9, %add3A : vector<32x1536xf32>
    %roll3A = arith.constant 1535 : i32
    %roll3A_14 = tpu.dynamic_rotate %add3A_13 by %roll3A dim 1 : vector<32x1536xf32>, i32 -> vector<32x1536xf32>
    %min3A = arith.constant 7.000000e+00 : f32
    %min3A_15 = vector.broadcast %min3A : f32 to vector<32x1536xf32>
    %min3A_16 = arith.minimumf %add3A_13, %min3A_15 : vector<32x1536xf32>
    %jit3A = arith.constant -7.000000e+00 : f32
    %jit3A_17 = arith.constant 7.000000e+00 : f32
    %max3A = vector.broadcast %jit3A : f32 to vector<32x1536xf32>
    %max3A_18 = arith.maximumf %max3A, %roll3A_14 : vector<32x1536xf32>
    %min3A_19 = vector.broadcast %jit3A_17 : f32 to vector<32x1536xf32>
    %min3A_20 = arith.minimumf %min3A_19, %max3A_18 : vector<32x1536xf32>
    %mul3A = arith.constant 1.702000e+00 : f32
    %mul3A_21 = vector.broadcast %mul3A : f32 to vector<32x1536xf32>
    %mul3A_22 = arith.mulf %mul3A_21, %min3A_16 : vector<32x1536xf32>
    %logistic3A = arith.negf %mul3A_22 : vector<32x1536xf32>
    %logistic3A_23 = math.exp %logistic3A : vector<32x1536xf32>
    %logistic3A_24 = arith.constant 1.000000e+00 : f32
    %logistic3A_25 = vector.broadcast %logistic3A_24 : f32 to vector<32x1536xf32>
    %logistic3A_26 = arith.addf %logistic3A_25, %logistic3A_23 : vector<32x1536xf32>
    %logistic3A_27 = arith.divf %logistic3A_25, %logistic3A_26 : vector<32x1536xf32>
    %mul3A_28 = arith.mulf %min3A_16, %logistic3A_27 : vector<32x1536xf32>
    %add3A_29 = arith.constant 1.000000e+00 : f32
    %add3A_30 = vector.broadcast %add3A_29 : f32 to vector<32x1536xf32>
    %add3A_31 = arith.addf %min3A_20, %add3A_30 : vector<32x1536xf32>
    %mul3A_32 = arith.mulf %mul3A_28, %add3A_31 : vector<32x1536xf32>
    %get3A_33 = arith.constant 0 : index
    %get3A_34 = arith.constant 0 : index
    %get3A_35 = vector.load %arg7[%get3A_33, %get3A_34] : memref<256x128xf32, #tpu.memory_space<vmem>>, vector<256x128xf32>
    %slice3A = vector.extract_strided_slice %mul3A_32 {offsets = [0, 0], sizes = [32, 256], strides = [1, 1]} : vector<32x1536xf32> to vector<32x256xf32>
    %dot_general3A_36 = arith.constant dense<0.000000e+00> : vector<32x128xf32>
    %dot_general3A_37 = tpu.matmul %slice3A, %get3A_35, %dot_general3A_36 {dimension_numbers = #tpu.dot_dimension_numbers<[1], [0], [0], [1], [0, 0, 1, 1], [], []>, transpose_lhs_hint = false} : vector<32x256xf32>, vector<256x128xf32>, vector<32x128xf32> -> vector<32x128xf32>
    %slice3A_38 = vector.extract_strided_slice %mul3A_32 {offsets = [0, 256], sizes = [32, 256], strides = [1, 1]} : vector<32x1536xf32> to vector<32x256xf32>
    %dot_general3A_39 = arith.constant dense<0.000000e+00> : vector<32x128xf32>
    %dot_general3A_40 = tpu.matmul %slice3A_38, %get3A_35, %dot_general3A_39 {dimension_numbers = #tpu.dot_dimension_numbers<[1], [0], [0], [1], [0, 0, 1, 1], [], []>, transpose_lhs_hint = false} : vector<32x256xf32>, vector<256x128xf32>, vector<32x128xf32> -> vector<32x128xf32>
    %slice3A_41 = vector.extract_strided_slice %mul3A_32 {offsets = [0, 512], sizes = [32, 256], strides = [1, 1]} : vector<32x1536xf32> to vector<32x256xf32>
    %dot_general3A_42 = arith.constant dense<0.000000e+00> : vector<32x128xf32>
    %dot_general3A_43 = tpu.matmul %slice3A_41, %get3A_35, %dot_general3A_42 {dimension_numbers = #tpu.dot_dimension_numbers<[1], [0], [0], [1], [0, 0, 1, 1], [], []>, transpose_lhs_hint = false} : vector<32x256xf32>, vector<256x128xf32>, vector<32x128xf32> -> vector<32x128xf32>
    %slice3A_44 = vector.extract_strided_slice %mul3A_32 {offsets = [0, 768], sizes = [32, 256], strides = [1, 1]} : vector<32x1536xf32> to vector<32x256xf32>
    %dot_general3A_45 = arith.constant dense<0.000000e+00> : vector<32x128xf32>
    %dot_general3A_46 = tpu.matmul %slice3A_44, %get3A_35, %dot_general3A_45 {dimension_numbers = #tpu.dot_dimension_numbers<[1], [0], [0], [1], [0, 0, 1, 1], [], []>, transpose_lhs_hint = false} : vector<32x256xf32>, vector<256x128xf32>, vector<32x128xf32> -> vector<32x128xf32>
    %slice3A_47 = vector.extract_strided_slice %mul3A_32 {offsets = [0, 1024], sizes = [32, 256], strides = [1, 1]} : vector<32x1536xf32> to vector<32x256xf32>
    %dot_general3A_48 = arith.constant dense<0.000000e+00> : vector<32x128xf32>
    %dot_general3A_49 = tpu.matmul %slice3A_47, %get3A_35, %dot_general3A_48 {dimension_numbers = #tpu.dot_dimension_numbers<[1], [0], [0], [1], [0, 0, 1, 1], [], []>, transpose_lhs_hint = false} : vector<32x256xf32>, vector<256x128xf32>, vector<32x128xf32> -> vector<32x128xf32>
    %slice3A_50 = vector.extract_strided_slice %mul3A_32 {offsets = [0, 1280], sizes = [32, 256], strides = [1, 1]} : vector<32x1536xf32> to vector<32x256xf32>
    %dot_general3A_51 = arith.constant dense<0.000000e+00> : vector<32x128xf32>
    %dot_general3A_52 = tpu.matmul %slice3A_50, %get3A_35, %dot_general3A_51 {dimension_numbers = #tpu.dot_dimension_numbers<[1], [0], [0], [1], [0, 0, 1, 1], [], []>, transpose_lhs_hint = false} : vector<32x256xf32>, vector<256x128xf32>, vector<32x128xf32> -> vector<32x128xf32>
    %concatenate3A = tpu.concatenate %dot_general3A_37, %dot_general3A_40, %dot_general3A_43, %dot_general3A_46, %dot_general3A_49, %dot_general3A_52 in 1 : vector<32x128xf32>, vector<32x128xf32>, vector<32x128xf32>, vector<32x128xf32>, vector<32x128xf32>, vector<32x128xf32> -> vector<32x768xf32>
    %get3A_53 = arith.constant 0 : index
    %get3A_54 = arith.constant 0 : index
    %get3A_55 = arith.constant 0 : index
    %get3A_56 = vector.load %arg4[%get3A_53, %get3A_54, %get3A_55] : memref<1x768x768xf32, #tpu.memory_space<vmem>>, vector<1x768x768xf32>
    %get3A_57 = vector.shape_cast %get3A_56 : vector<1x768x768xf32> to vector<768x768xf32>
    %dot_general3A_58 = arith.constant dense<0.000000e+00> : vector<32x768xf32>
    %dot_general3A_59 = tpu.matmul %concatenate3A, %get3A_57, %dot_general3A_58 {dimension_numbers = #tpu.dot_dimension_numbers<[1], [1], [0], [0], [0, 0, 1, 0], [], []>, transpose_lhs_hint = false} : vector<32x768xf32>, vector<768x768xf32>, vector<32x768xf32> -> vector<32x768xf32>
    %get3A_60 = arith.index_cast %arg0 : i32 to index
    %get3A_61 = arith.constant 0 : index
    %get3A_62 = vector.load %arg5[%get3A_60, %get3A_61] : memref<16x768xf32, #tpu.memory_space<vmem>>, vector<1x768xf32>
    %add3A_63 = vector.broadcast %get3A_62 : vector<1x768xf32> to vector<32x768xf32>
    %add3A_64 = arith.addf %dot_general3A_59, %add3A_63 : vector<32x768xf32>
    %swap3A = arith.constant 0 : index
    %swap3A_65 = arith.constant 0 : index
    %swap3A_66 = arith.constant 0 : index
    %swap3A_67 = vector.load %arg6[%swap3A, %swap3A_65, %swap3A_66] : memref<1x32x768xf32, #tpu.memory_space<vmem>>, vector<1x32x768xf32>
    %swap3A_68 = vector.shape_cast %swap3A_67 : vector<1x32x768xf32> to vector<32x768xf32>
    %swap3A_69 = vector.shape_cast %add3A_64 : vector<32x768xf32> to vector<1x32x768xf32>
    tpu.vector_store %arg6[%swap3A, %swap3A_65, %swap3A_66], %swap3A_69 {strides = array<i32>} : memref<1x32x768xf32, #tpu.memory_space<vmem>>, vector<1x32x768xf32>,
    return
  }
  func.func @transform_0(%arg0: i32) -> (i32, i32) {
    %c0_i32 = arith.constant 0 : i32
    %c0_i32_0 = arith.constant 0 : i32
    %c0_i32_1 = arith.constant 0 : i32
    return %c0_i32, %c0_i32_0 : i32, i32
  }
  func.func @transform_1(%arg0: i32) -> (i32, i32, i32) {
    %c0_i32 = arith.constant 0 : i32
    %c0_i32_0 = arith.constant 0 : i32
    %c0_i32_1 = arith.constant 0 : i32
    return %arg0, %c0_i32, %c0_i32_0 : i32, i32, i32
  }
  func.func @transform_2(%arg0: i32) -> (i32, i32) {
    %c0_i32 = arith.constant 0 : i32
    %c0_i32_0 = arith.constant 0 : i32
    %c0_i32_1 = arith.constant 0 : i32
    return %c0_i32, %c0_i32_0 : i32, i32
  }
  func.func @transform_3(%arg0: i32) -> (i32, i32, i32) {
    %c0_i32 = arith.constant 0 : i32
    %c0_i32_0 = arith.constant 0 : i32
    %c0_i32_1 = arith.constant 0 : i32
    return %arg0, %c0_i32, %c0_i32_0 : i32, i32, i32
  }
  func.func @transform_4(%arg0: i32) -> (i32, i32) {
    %c0_i32 = arith.constant 0 : i32
    %c0_i32_0 = arith.constant 0 : i32
    %c0_i32_1 = arith.constant 0 : i32
    return %c0_i32, %c0_i32_0 : i32, i32
  }
  func.func @transform_5(%arg0: i32) -> (i32, i32, i32) {
    %c0_i32 = arith.constant 0 : i32
    %c0_i32_0 = arith.constant 0 : i32
    %c0_i32_1 = arith.constant 0 : i32
    return %arg0, %c0_i32, %c0_i32_0 : i32, i32, i32
  }
}

module attributes {stable_mosaic.version = 14 : i64} {
  func.func @_tc_head_kernel(%arg0: memref<32x768xf32, #tpu.memory_space<vmem>>, %arg1: memref<1x768xf32, #tpu.memory_space<vmem>>, %arg2: memref<16x768xf32, #tpu.memory_space<vmem>>, %arg3: memref<1x16xf32, #tpu.memory_space<vmem>>, %arg4: memref<32x768xf32, #tpu.memory_space<vmem>>, %arg5: memref<32x16xf32, #tpu.memory_space<vmem>>) attributes {dimension_semantics = [], scalar_prefetch = 0 : i64, scratch_operands = 0 : i64, tpu.core_type = #tpu.core_type<tc>} {
    %get3A = arith.constant 0 : index
    %get3A_0 = arith.constant 0 : index
    %get3A_1 = vector.load %arg0[%get3A, %get3A_0] : memref<32x768xf32, #tpu.memory_space<vmem>>, vector<32x768xf32>
    %mul3A = arith.mulf %get3A_1, %get3A_1 : vector<32x768xf32>
    %reduce_sum3A = arith.constant dense<0.000000e+00> : vector<32xf32>
    %reduce_sum3A_2 = vector.multi_reduction <add>, %mul3A, %reduce_sum3A [1] : vector<32x768xf32> to vector<32xf32>
    %broadcast_in_dim3A = vector.shape_cast %reduce_sum3A_2 : vector<32xf32> to vector<32x1xf32>
    %div3A = arith.constant 7.680000e+02 : f32
    %div3A_3 = vector.broadcast %div3A : f32 to vector<32x1xf32>
    %div3A_4 = arith.divf %broadcast_in_dim3A, %div3A_3 : vector<32x1xf32>
    %add3A = arith.constant 9.99999974E-6 : f32
    %add3A_5 = vector.broadcast %add3A : f32 to vector<32x1xf32>
    %add3A_6 = arith.addf %div3A_4, %add3A_5 : vector<32x1xf32>
    %rsqrt3A = math.rsqrt %add3A_6 : vector<32x1xf32>
    %mul3A_7 = vector.broadcast %rsqrt3A : vector<32x1xf32> to vector<32x768xf32>
    %mul3A_8 = arith.mulf %get3A_1, %mul3A_7 : vector<32x768xf32>
    %get3A_9 = arith.constant 0 : index
    %get3A_10 = arith.constant 0 : index
    %get3A_11 = vector.load %arg1[%get3A_9, %get3A_10] : memref<1x768xf32, #tpu.memory_space<vmem>>, vector<1x768xf32>
    %mul3A_12 = vector.broadcast %get3A_11 : vector<1x768xf32> to vector<32x768xf32>
    %mul3A_13 = arith.mulf %mul3A_8, %mul3A_12 : vector<32x768xf32>
    %get3A_14 = arith.constant 0 : index
    %get3A_15 = arith.constant 0 : index
    %get3A_16 = vector.load %arg2[%get3A_14, %get3A_15] : memref<16x768xf32, #tpu.memory_space<vmem>>, vector<16x768xf32>
    %dot_general3A = arith.constant dense<0.000000e+00> : vector<32x16xf32>
    %dot_general3A_17 = tpu.matmul %mul3A_13, %get3A_16, %dot_general3A {dimension_numbers = #tpu.dot_dimension_numbers<[1], [1], [0], [0], [0, 0, 1, 0], [], []>, transpose_lhs_hint = false} : vector<32x768xf32>, vector<16x768xf32>, vector<32x16xf32> -> vector<32x16xf32>
    %get3A_18 = arith.constant 0 : index
    %get3A_19 = arith.constant 0 : index
    %get3A_20 = vector.load %arg3[%get3A_18, %get3A_19] : memref<1x16xf32, #tpu.memory_space<vmem>>, vector<1x16xf32>
    %add3A_21 = vector.broadcast %get3A_20 : vector<1x16xf32> to vector<32x16xf32>
    %add3A_22 = arith.addf %dot_general3A_17, %add3A_21 : vector<32x16xf32>
    %swap3A = arith.constant 0 : index
    %swap3A_23 = arith.constant 0 : index
    %swap3A_24 = vector.load %arg4[%swap3A, %swap3A_23] : memref<32x768xf32, #tpu.memory_space<vmem>>, vector<32x768xf32>
    tpu.vector_store %arg4[%swap3A, %swap3A_23], %mul3A_13 {strides = array<i32>} : memref<32x768xf32, #tpu.memory_space<vmem>>, vector<32x768xf32>,
    %swap3A_25 = arith.constant 0 : index
    %swap3A_26 = arith.constant 0 : index
    %swap3A_27 = vector.load %arg5[%swap3A_25, %swap3A_26] : memref<32x16xf32, #tpu.memory_space<vmem>>, vector<32x16xf32>
    tpu.vector_store %arg5[%swap3A_25, %swap3A_26], %add3A_22 {strides = array<i32>} : memref<32x16xf32, #tpu.memory_space<vmem>>, vector<32x16xf32>,
    return
  }
}

module attributes {stable_mosaic.version = 14 : i64} {
  func.func @_tc_combine_kernel(%arg0: memref<32x768xf32, #tpu.memory_space<vmem>>, %arg1: memref<32x16xf32, #tpu.memory_space<vmem>>, %arg2: memref<16x32x768xf32, #tpu.memory_space<vmem>>, %arg3: memref<32x768xf32, #tpu.memory_space<vmem>>) attributes {dimension_semantics = [], scalar_prefetch = 0 : i64, scratch_operands = 0 : i64, tpu.core_type = #tpu.core_type<tc>} {
    %get3A = arith.constant 0 : index
    %get3A_0 = arith.constant 0 : index
    %get3A_1 = vector.load %arg0[%get3A, %get3A_0] : memref<32x768xf32, #tpu.memory_space<vmem>>, vector<32x768xf32>
    %get3A_2 = arith.constant 0 : index
    %get3A_3 = arith.constant 0 : index
    %get3A_4 = vector.load %arg1[%get3A_2, %get3A_3] : memref<32x16xf32, #tpu.memory_space<vmem>>, vector<32x16xf32>
    %iota3A = tpu.iota {dimensions = array<i32: 1>} : vector<32x16xi32>
    %eq3A = arith.constant 0 : i32
    %eq3A_5 = vector.broadcast %eq3A : i32 to vector<32x16xi32>
    %eq3A_6 = arith.cmpi eq, %iota3A, %eq3A_5 : vector<32x16xi32>
    %jit3A = arith.constant 1.000000e+00 : f32
    %jit3A_7 = arith.constant 0.000000e+00 : f32
    %broadcast_in_dim3A = vector.broadcast %jit3A : f32 to vector<32x16xf32>
    %broadcast_in_dim3A_8 = vector.broadcast %jit3A_7 : f32 to vector<32x16xf32>
    %select_n3A = arith.select %eq3A_6, %broadcast_in_dim3A, %broadcast_in_dim3A_8 : vector<32x16xi1>, vector<32x16xf32>
    %mul3A = arith.mulf %get3A_4, %select_n3A : vector<32x16xf32>
    %reduce_sum3A = arith.constant dense<0.000000e+00> : vector<32xf32>
    %reduce_sum3A_9 = vector.multi_reduction <add>, %mul3A, %reduce_sum3A [1] : vector<32x16xf32> to vector<32xf32>
    %broadcast_in_dim3A_10 = vector.shape_cast %reduce_sum3A_9 : vector<32xf32> to vector<32x1xf32>
    %get3A_11 = arith.constant 0 : index
    %get3A_12 = arith.constant 0 : index
    %get3A_13 = arith.constant 0 : index
    %get3A_14 = vector.load %arg2[%get3A_11, %get3A_12, %get3A_13] : memref<16x32x768xf32, #tpu.memory_space<vmem>>, vector<1x32x768xf32>
    %get3A_15 = vector.shape_cast %get3A_14 : vector<1x32x768xf32> to vector<32x768xf32>
    %mul3A_16 = vector.broadcast %broadcast_in_dim3A_10 : vector<32x1xf32> to vector<32x768xf32>
    %mul3A_17 = arith.mulf %mul3A_16, %get3A_15 : vector<32x768xf32>
    %add3A = arith.addf %get3A_1, %mul3A_17 : vector<32x768xf32>
    %eq3A_18 = arith.constant 1 : i32
    %eq3A_19 = vector.broadcast %eq3A_18 : i32 to vector<32x16xi32>
    %eq3A_20 = arith.cmpi eq, %iota3A, %eq3A_19 : vector<32x16xi32>
    %jit3A_21 = arith.constant 1.000000e+00 : f32
    %jit3A_22 = arith.constant 0.000000e+00 : f32
    %broadcast_in_dim3A_23 = vector.broadcast %jit3A_21 : f32 to vector<32x16xf32>
    %broadcast_in_dim3A_24 = vector.broadcast %jit3A_22 : f32 to vector<32x16xf32>
    %select_n3A_25 = arith.select %eq3A_20, %broadcast_in_dim3A_23, %broadcast_in_dim3A_24 : vector<32x16xi1>, vector<32x16xf32>
    %mul3A_26 = arith.mulf %get3A_4, %select_n3A_25 : vector<32x16xf32>
    %reduce_sum3A_27 = arith.constant dense<0.000000e+00> : vector<32xf32>
    %reduce_sum3A_28 = vector.multi_reduction <add>, %mul3A_26, %reduce_sum3A_27 [1] : vector<32x16xf32> to vector<32xf32>
    %broadcast_in_dim3A_29 = vector.shape_cast %reduce_sum3A_28 : vector<32xf32> to vector<32x1xf32>
    %get3A_30 = arith.constant 1 : index
    %get3A_31 = arith.constant 0 : index
    %get3A_32 = arith.constant 0 : index
    %get3A_33 = vector.load %arg2[%get3A_30, %get3A_31, %get3A_32] : memref<16x32x768xf32, #tpu.memory_space<vmem>>, vector<1x32x768xf32>
    %get3A_34 = vector.shape_cast %get3A_33 : vector<1x32x768xf32> to vector<32x768xf32>
    %mul3A_35 = vector.broadcast %broadcast_in_dim3A_29 : vector<32x1xf32> to vector<32x768xf32>
    %mul3A_36 = arith.mulf %mul3A_35, %get3A_34 : vector<32x768xf32>
    %add3A_37 = arith.addf %add3A, %mul3A_36 : vector<32x768xf32>
    %eq3A_38 = arith.constant 2 : i32
    %eq3A_39 = vector.broadcast %eq3A_38 : i32 to vector<32x16xi32>
    %eq3A_40 = arith.cmpi eq, %iota3A, %eq3A_39 : vector<32x16xi32>
    %jit3A_41 = arith.constant 1.000000e+00 : f32
    %jit3A_42 = arith.constant 0.000000e+00 : f32
    %broadcast_in_dim3A_43 = vector.broadcast %jit3A_41 : f32 to vector<32x16xf32>
    %broadcast_in_dim3A_44 = vector.broadcast %jit3A_42 : f32 to vector<32x16xf32>
    %select_n3A_45 = arith.select %eq3A_40, %broadcast_in_dim3A_43, %broadcast_in_dim3A_44 : vector<32x16xi1>, vector<32x16xf32>
    %mul3A_46 = arith.mulf %get3A_4, %select_n3A_45 : vector<32x16xf32>
    %reduce_sum3A_47 = arith.constant dense<0.000000e+00> : vector<32xf32>
    %reduce_sum3A_48 = vector.multi_reduction <add>, %mul3A_46, %reduce_sum3A_47 [1] : vector<32x16xf32> to vector<32xf32>
    %broadcast_in_dim3A_49 = vector.shape_cast %reduce_sum3A_48 : vector<32xf32> to vector<32x1xf32>
    %get3A_50 = arith.constant 2 : index
    %get3A_51 = arith.constant 0 : index
    %get3A_52 = arith.constant 0 : index
    %get3A_53 = vector.load %arg2[%get3A_50, %get3A_51, %get3A_52] : memref<16x32x768xf32, #tpu.memory_space<vmem>>, vector<1x32x768xf32>
    %get3A_54 = vector.shape_cast %get3A_53 : vector<1x32x768xf32> to vector<32x768xf32>
    %mul3A_55 = vector.broadcast %broadcast_in_dim3A_49 : vector<32x1xf32> to vector<32x768xf32>
    %mul3A_56 = arith.mulf %mul3A_55, %get3A_54 : vector<32x768xf32>
    %add3A_57 = arith.addf %add3A_37, %mul3A_56 : vector<32x768xf32>
    %eq3A_58 = arith.constant 3 : i32
    %eq3A_59 = vector.broadcast %eq3A_58 : i32 to vector<32x16xi32>
    %eq3A_60 = arith.cmpi eq, %iota3A, %eq3A_59 : vector<32x16xi32>
    %jit3A_61 = arith.constant 1.000000e+00 : f32
    %jit3A_62 = arith.constant 0.000000e+00 : f32
    %broadcast_in_dim3A_63 = vector.broadcast %jit3A_61 : f32 to vector<32x16xf32>
    %broadcast_in_dim3A_64 = vector.broadcast %jit3A_62 : f32 to vector<32x16xf32>
    %select_n3A_65 = arith.select %eq3A_60, %broadcast_in_dim3A_63, %broadcast_in_dim3A_64 : vector<32x16xi1>, vector<32x16xf32>
    %mul3A_66 = arith.mulf %get3A_4, %select_n3A_65 : vector<32x16xf32>
    %reduce_sum3A_67 = arith.constant dense<0.000000e+00> : vector<32xf32>
    %reduce_sum3A_68 = vector.multi_reduction <add>, %mul3A_66, %reduce_sum3A_67 [1] : vector<32x16xf32> to vector<32xf32>
    %broadcast_in_dim3A_69 = vector.shape_cast %reduce_sum3A_68 : vector<32xf32> to vector<32x1xf32>
    %get3A_70 = arith.constant 3 : index
    %get3A_71 = arith.constant 0 : index
    %get3A_72 = arith.constant 0 : index
    %get3A_73 = vector.load %arg2[%get3A_70, %get3A_71, %get3A_72] : memref<16x32x768xf32, #tpu.memory_space<vmem>>, vector<1x32x768xf32>
    %get3A_74 = vector.shape_cast %get3A_73 : vector<1x32x768xf32> to vector<32x768xf32>
    %mul3A_75 = vector.broadcast %broadcast_in_dim3A_69 : vector<32x1xf32> to vector<32x768xf32>
    %mul3A_76 = arith.mulf %mul3A_75, %get3A_74 : vector<32x768xf32>
    %add3A_77 = arith.addf %add3A_57, %mul3A_76 : vector<32x768xf32>
    %eq3A_78 = arith.constant 4 : i32
    %eq3A_79 = vector.broadcast %eq3A_78 : i32 to vector<32x16xi32>
    %eq3A_80 = arith.cmpi eq, %iota3A, %eq3A_79 : vector<32x16xi32>
    %jit3A_81 = arith.constant 1.000000e+00 : f32
    %jit3A_82 = arith.constant 0.000000e+00 : f32
    %broadcast_in_dim3A_83 = vector.broadcast %jit3A_81 : f32 to vector<32x16xf32>
    %broadcast_in_dim3A_84 = vector.broadcast %jit3A_82 : f32 to vector<32x16xf32>
    %select_n3A_85 = arith.select %eq3A_80, %broadcast_in_dim3A_83, %broadcast_in_dim3A_84 : vector<32x16xi1>, vector<32x16xf32>
    %mul3A_86 = arith.mulf %get3A_4, %select_n3A_85 : vector<32x16xf32>
    %reduce_sum3A_87 = arith.constant dense<0.000000e+00> : vector<32xf32>
    %reduce_sum3A_88 = vector.multi_reduction <add>, %mul3A_86, %reduce_sum3A_87 [1] : vector<32x16xf32> to vector<32xf32>
    %broadcast_in_dim3A_89 = vector.shape_cast %reduce_sum3A_88 : vector<32xf32> to vector<32x1xf32>
    %get3A_90 = arith.constant 4 : index
    %get3A_91 = arith.constant 0 : index
    %get3A_92 = arith.constant 0 : index
    %get3A_93 = vector.load %arg2[%get3A_90, %get3A_91, %get3A_92] : memref<16x32x768xf32, #tpu.memory_space<vmem>>, vector<1x32x768xf32>
    %get3A_94 = vector.shape_cast %get3A_93 : vector<1x32x768xf32> to vector<32x768xf32>
    %mul3A_95 = vector.broadcast %broadcast_in_dim3A_89 : vector<32x1xf32> to vector<32x768xf32>
    %mul3A_96 = arith.mulf %mul3A_95, %get3A_94 : vector<32x768xf32>
    %add3A_97 = arith.addf %add3A_77, %mul3A_96 : vector<32x768xf32>
    %eq3A_98 = arith.constant 5 : i32
    %eq3A_99 = vector.broadcast %eq3A_98 : i32 to vector<32x16xi32>
    %eq3A_100 = arith.cmpi eq, %iota3A, %eq3A_99 : vector<32x16xi32>
    %jit3A_101 = arith.constant 1.000000e+00 : f32
    %jit3A_102 = arith.constant 0.000000e+00 : f32
    %broadcast_in_dim3A_103 = vector.broadcast %jit3A_101 : f32 to vector<32x16xf32>
    %broadcast_in_dim3A_104 = vector.broadcast %jit3A_102 : f32 to vector<32x16xf32>
    %select_n3A_105 = arith.select %eq3A_100, %broadcast_in_dim3A_103, %broadcast_in_dim3A_104 : vector<32x16xi1>, vector<32x16xf32>
    %mul3A_106 = arith.mulf %get3A_4, %select_n3A_105 : vector<32x16xf32>
    %reduce_sum3A_107 = arith.constant dense<0.000000e+00> : vector<32xf32>
    %reduce_sum3A_108 = vector.multi_reduction <add>, %mul3A_106, %reduce_sum3A_107 [1] : vector<32x16xf32> to vector<32xf32>
    %broadcast_in_dim3A_109 = vector.shape_cast %reduce_sum3A_108 : vector<32xf32> to vector<32x1xf32>
    %get3A_110 = arith.constant 5 : index
    %get3A_111 = arith.constant 0 : index
    %get3A_112 = arith.constant 0 : index
    %get3A_113 = vector.load %arg2[%get3A_110, %get3A_111, %get3A_112] : memref<16x32x768xf32, #tpu.memory_space<vmem>>, vector<1x32x768xf32>
    %get3A_114 = vector.shape_cast %get3A_113 : vector<1x32x768xf32> to vector<32x768xf32>
    %mul3A_115 = vector.broadcast %broadcast_in_dim3A_109 : vector<32x1xf32> to vector<32x768xf32>
    %mul3A_116 = arith.mulf %mul3A_115, %get3A_114 : vector<32x768xf32>
    %add3A_117 = arith.addf %add3A_97, %mul3A_116 : vector<32x768xf32>
    %eq3A_118 = arith.constant 6 : i32
    %eq3A_119 = vector.broadcast %eq3A_118 : i32 to vector<32x16xi32>
    %eq3A_120 = arith.cmpi eq, %iota3A, %eq3A_119 : vector<32x16xi32>
    %jit3A_121 = arith.constant 1.000000e+00 : f32
    %jit3A_122 = arith.constant 0.000000e+00 : f32
    %broadcast_in_dim3A_123 = vector.broadcast %jit3A_121 : f32 to vector<32x16xf32>
    %broadcast_in_dim3A_124 = vector.broadcast %jit3A_122 : f32 to vector<32x16xf32>
    %select_n3A_125 = arith.select %eq3A_120, %broadcast_in_dim3A_123, %broadcast_in_dim3A_124 : vector<32x16xi1>, vector<32x16xf32>
    %mul3A_126 = arith.mulf %get3A_4, %select_n3A_125 : vector<32x16xf32>
    %reduce_sum3A_127 = arith.constant dense<0.000000e+00> : vector<32xf32>
    %reduce_sum3A_128 = vector.multi_reduction <add>, %mul3A_126, %reduce_sum3A_127 [1] : vector<32x16xf32> to vector<32xf32>
    %broadcast_in_dim3A_129 = vector.shape_cast %reduce_sum3A_128 : vector<32xf32> to vector<32x1xf32>
    %get3A_130 = arith.constant 6 : index
    %get3A_131 = arith.constant 0 : index
    %get3A_132 = arith.constant 0 : index
    %get3A_133 = vector.load %arg2[%get3A_130, %get3A_131, %get3A_132] : memref<16x32x768xf32, #tpu.memory_space<vmem>>, vector<1x32x768xf32>
    %get3A_134 = vector.shape_cast %get3A_133 : vector<1x32x768xf32> to vector<32x768xf32>
    %mul3A_135 = vector.broadcast %broadcast_in_dim3A_129 : vector<32x1xf32> to vector<32x768xf32>
    %mul3A_136 = arith.mulf %mul3A_135, %get3A_134 : vector<32x768xf32>
    %add3A_137 = arith.addf %add3A_117, %mul3A_136 : vector<32x768xf32>
    %eq3A_138 = arith.constant 7 : i32
    %eq3A_139 = vector.broadcast %eq3A_138 : i32 to vector<32x16xi32>
    %eq3A_140 = arith.cmpi eq, %iota3A, %eq3A_139 : vector<32x16xi32>
    %jit3A_141 = arith.constant 1.000000e+00 : f32
    %jit3A_142 = arith.constant 0.000000e+00 : f32
    %broadcast_in_dim3A_143 = vector.broadcast %jit3A_141 : f32 to vector<32x16xf32>
    %broadcast_in_dim3A_144 = vector.broadcast %jit3A_142 : f32 to vector<32x16xf32>
    %select_n3A_145 = arith.select %eq3A_140, %broadcast_in_dim3A_143, %broadcast_in_dim3A_144 : vector<32x16xi1>, vector<32x16xf32>
    %mul3A_146 = arith.mulf %get3A_4, %select_n3A_145 : vector<32x16xf32>
    %reduce_sum3A_147 = arith.constant dense<0.000000e+00> : vector<32xf32>
    %reduce_sum3A_148 = vector.multi_reduction <add>, %mul3A_146, %reduce_sum3A_147 [1] : vector<32x16xf32> to vector<32xf32>
    %broadcast_in_dim3A_149 = vector.shape_cast %reduce_sum3A_148 : vector<32xf32> to vector<32x1xf32>
    %get3A_150 = arith.constant 7 : index
    %get3A_151 = arith.constant 0 : index
    %get3A_152 = arith.constant 0 : index
    %get3A_153 = vector.load %arg2[%get3A_150, %get3A_151, %get3A_152] : memref<16x32x768xf32, #tpu.memory_space<vmem>>, vector<1x32x768xf32>
    %get3A_154 = vector.shape_cast %get3A_153 : vector<1x32x768xf32> to vector<32x768xf32>
    %mul3A_155 = vector.broadcast %broadcast_in_dim3A_149 : vector<32x1xf32> to vector<32x768xf32>
    %mul3A_156 = arith.mulf %mul3A_155, %get3A_154 : vector<32x768xf32>
    %add3A_157 = arith.addf %add3A_137, %mul3A_156 : vector<32x768xf32>
    %eq3A_158 = arith.constant 8 : i32
    %eq3A_159 = vector.broadcast %eq3A_158 : i32 to vector<32x16xi32>
    %eq3A_160 = arith.cmpi eq, %iota3A, %eq3A_159 : vector<32x16xi32>
    %jit3A_161 = arith.constant 1.000000e+00 : f32
    %jit3A_162 = arith.constant 0.000000e+00 : f32
    %broadcast_in_dim3A_163 = vector.broadcast %jit3A_161 : f32 to vector<32x16xf32>
    %broadcast_in_dim3A_164 = vector.broadcast %jit3A_162 : f32 to vector<32x16xf32>
    %select_n3A_165 = arith.select %eq3A_160, %broadcast_in_dim3A_163, %broadcast_in_dim3A_164 : vector<32x16xi1>, vector<32x16xf32>
    %mul3A_166 = arith.mulf %get3A_4, %select_n3A_165 : vector<32x16xf32>
    %reduce_sum3A_167 = arith.constant dense<0.000000e+00> : vector<32xf32>
    %reduce_sum3A_168 = vector.multi_reduction <add>, %mul3A_166, %reduce_sum3A_167 [1] : vector<32x16xf32> to vector<32xf32>
    %broadcast_in_dim3A_169 = vector.shape_cast %reduce_sum3A_168 : vector<32xf32> to vector<32x1xf32>
    %get3A_170 = arith.constant 8 : index
    %get3A_171 = arith.constant 0 : index
    %get3A_172 = arith.constant 0 : index
    %get3A_173 = vector.load %arg2[%get3A_170, %get3A_171, %get3A_172] : memref<16x32x768xf32, #tpu.memory_space<vmem>>, vector<1x32x768xf32>
    %get3A_174 = vector.shape_cast %get3A_173 : vector<1x32x768xf32> to vector<32x768xf32>
    %mul3A_175 = vector.broadcast %broadcast_in_dim3A_169 : vector<32x1xf32> to vector<32x768xf32>
    %mul3A_176 = arith.mulf %mul3A_175, %get3A_174 : vector<32x768xf32>
    %add3A_177 = arith.addf %add3A_157, %mul3A_176 : vector<32x768xf32>
    %eq3A_178 = arith.constant 9 : i32
    %eq3A_179 = vector.broadcast %eq3A_178 : i32 to vector<32x16xi32>
    %eq3A_180 = arith.cmpi eq, %iota3A, %eq3A_179 : vector<32x16xi32>
    %jit3A_181 = arith.constant 1.000000e+00 : f32
    %jit3A_182 = arith.constant 0.000000e+00 : f32
    %broadcast_in_dim3A_183 = vector.broadcast %jit3A_181 : f32 to vector<32x16xf32>
    %broadcast_in_dim3A_184 = vector.broadcast %jit3A_182 : f32 to vector<32x16xf32>
    %select_n3A_185 = arith.select %eq3A_180, %broadcast_in_dim3A_183, %broadcast_in_dim3A_184 : vector<32x16xi1>, vector<32x16xf32>
    %mul3A_186 = arith.mulf %get3A_4, %select_n3A_185 : vector<32x16xf32>
    %reduce_sum3A_187 = arith.constant dense<0.000000e+00> : vector<32xf32>
    %reduce_sum3A_188 = vector.multi_reduction <add>, %mul3A_186, %reduce_sum3A_187 [1] : vector<32x16xf32> to vector<32xf32>
    %broadcast_in_dim3A_189 = vector.shape_cast %reduce_sum3A_188 : vector<32xf32> to vector<32x1xf32>
    %get3A_190 = arith.constant 9 : index
    %get3A_191 = arith.constant 0 : index
    %get3A_192 = arith.constant 0 : index
    %get3A_193 = vector.load %arg2[%get3A_190, %get3A_191, %get3A_192] : memref<16x32x768xf32, #tpu.memory_space<vmem>>, vector<1x32x768xf32>
    %get3A_194 = vector.shape_cast %get3A_193 : vector<1x32x768xf32> to vector<32x768xf32>
    %mul3A_195 = vector.broadcast %broadcast_in_dim3A_189 : vector<32x1xf32> to vector<32x768xf32>
    %mul3A_196 = arith.mulf %mul3A_195, %get3A_194 : vector<32x768xf32>
    %add3A_197 = arith.addf %add3A_177, %mul3A_196 : vector<32x768xf32>
    %eq3A_198 = arith.constant 10 : i32
    %eq3A_199 = vector.broadcast %eq3A_198 : i32 to vector<32x16xi32>
    %eq3A_200 = arith.cmpi eq, %iota3A, %eq3A_199 : vector<32x16xi32>
    %jit3A_201 = arith.constant 1.000000e+00 : f32
    %jit3A_202 = arith.constant 0.000000e+00 : f32
    %broadcast_in_dim3A_203 = vector.broadcast %jit3A_201 : f32 to vector<32x16xf32>
    %broadcast_in_dim3A_204 = vector.broadcast %jit3A_202 : f32 to vector<32x16xf32>
    %select_n3A_205 = arith.select %eq3A_200, %broadcast_in_dim3A_203, %broadcast_in_dim3A_204 : vector<32x16xi1>, vector<32x16xf32>
    %mul3A_206 = arith.mulf %get3A_4, %select_n3A_205 : vector<32x16xf32>
    %reduce_sum3A_207 = arith.constant dense<0.000000e+00> : vector<32xf32>
    %reduce_sum3A_208 = vector.multi_reduction <add>, %mul3A_206, %reduce_sum3A_207 [1] : vector<32x16xf32> to vector<32xf32>
    %broadcast_in_dim3A_209 = vector.shape_cast %reduce_sum3A_208 : vector<32xf32> to vector<32x1xf32>
    %get3A_210 = arith.constant 10 : index
    %get3A_211 = arith.constant 0 : index
    %get3A_212 = arith.constant 0 : index
    %get3A_213 = vector.load %arg2[%get3A_210, %get3A_211, %get3A_212] : memref<16x32x768xf32, #tpu.memory_space<vmem>>, vector<1x32x768xf32>
    %get3A_214 = vector.shape_cast %get3A_213 : vector<1x32x768xf32> to vector<32x768xf32>
    %mul3A_215 = vector.broadcast %broadcast_in_dim3A_209 : vector<32x1xf32> to vector<32x768xf32>
    %mul3A_216 = arith.mulf %mul3A_215, %get3A_214 : vector<32x768xf32>
    %add3A_217 = arith.addf %add3A_197, %mul3A_216 : vector<32x768xf32>
    %eq3A_218 = arith.constant 11 : i32
    %eq3A_219 = vector.broadcast %eq3A_218 : i32 to vector<32x16xi32>
    %eq3A_220 = arith.cmpi eq, %iota3A, %eq3A_219 : vector<32x16xi32>
    %jit3A_221 = arith.constant 1.000000e+00 : f32
    %jit3A_222 = arith.constant 0.000000e+00 : f32
    %broadcast_in_dim3A_223 = vector.broadcast %jit3A_221 : f32 to vector<32x16xf32>
    %broadcast_in_dim3A_224 = vector.broadcast %jit3A_222 : f32 to vector<32x16xf32>
    %select_n3A_225 = arith.select %eq3A_220, %broadcast_in_dim3A_223, %broadcast_in_dim3A_224 : vector<32x16xi1>, vector<32x16xf32>
    %mul3A_226 = arith.mulf %get3A_4, %select_n3A_225 : vector<32x16xf32>
    %reduce_sum3A_227 = arith.constant dense<0.000000e+00> : vector<32xf32>
    %reduce_sum3A_228 = vector.multi_reduction <add>, %mul3A_226, %reduce_sum3A_227 [1] : vector<32x16xf32> to vector<32xf32>
    %broadcast_in_dim3A_229 = vector.shape_cast %reduce_sum3A_228 : vector<32xf32> to vector<32x1xf32>
    %get3A_230 = arith.constant 11 : index
    %get3A_231 = arith.constant 0 : index
    %get3A_232 = arith.constant 0 : index
    %get3A_233 = vector.load %arg2[%get3A_230, %get3A_231, %get3A_232] : memref<16x32x768xf32, #tpu.memory_space<vmem>>, vector<1x32x768xf32>
    %get3A_234 = vector.shape_cast %get3A_233 : vector<1x32x768xf32> to vector<32x768xf32>
    %mul3A_235 = vector.broadcast %broadcast_in_dim3A_229 : vector<32x1xf32> to vector<32x768xf32>
    %mul3A_236 = arith.mulf %mul3A_235, %get3A_234 : vector<32x768xf32>
    %add3A_237 = arith.addf %add3A_217, %mul3A_236 : vector<32x768xf32>
    %eq3A_238 = arith.constant 12 : i32
    %eq3A_239 = vector.broadcast %eq3A_238 : i32 to vector<32x16xi32>
    %eq3A_240 = arith.cmpi eq, %iota3A, %eq3A_239 : vector<32x16xi32>
    %jit3A_241 = arith.constant 1.000000e+00 : f32
    %jit3A_242 = arith.constant 0.000000e+00 : f32
    %broadcast_in_dim3A_243 = vector.broadcast %jit3A_241 : f32 to vector<32x16xf32>
    %broadcast_in_dim3A_244 = vector.broadcast %jit3A_242 : f32 to vector<32x16xf32>
    %select_n3A_245 = arith.select %eq3A_240, %broadcast_in_dim3A_243, %broadcast_in_dim3A_244 : vector<32x16xi1>, vector<32x16xf32>
    %mul3A_246 = arith.mulf %get3A_4, %select_n3A_245 : vector<32x16xf32>
    %reduce_sum3A_247 = arith.constant dense<0.000000e+00> : vector<32xf32>
    %reduce_sum3A_248 = vector.multi_reduction <add>, %mul3A_246, %reduce_sum3A_247 [1] : vector<32x16xf32> to vector<32xf32>
    %broadcast_in_dim3A_249 = vector.shape_cast %reduce_sum3A_248 : vector<32xf32> to vector<32x1xf32>
    %get3A_250 = arith.constant 12 : index
    %get3A_251 = arith.constant 0 : index
    %get3A_252 = arith.constant 0 : index
    %get3A_253 = vector.load %arg2[%get3A_250, %get3A_251, %get3A_252] : memref<16x32x768xf32, #tpu.memory_space<vmem>>, vector<1x32x768xf32>
    %get3A_254 = vector.shape_cast %get3A_253 : vector<1x32x768xf32> to vector<32x768xf32>
    %mul3A_255 = vector.broadcast %broadcast_in_dim3A_249 : vector<32x1xf32> to vector<32x768xf32>
    %mul3A_256 = arith.mulf %mul3A_255, %get3A_254 : vector<32x768xf32>
    %add3A_257 = arith.addf %add3A_237, %mul3A_256 : vector<32x768xf32>
    %eq3A_258 = arith.constant 13 : i32
    %eq3A_259 = vector.broadcast %eq3A_258 : i32 to vector<32x16xi32>
    %eq3A_260 = arith.cmpi eq, %iota3A, %eq3A_259 : vector<32x16xi32>
    %jit3A_261 = arith.constant 1.000000e+00 : f32
    %jit3A_262 = arith.constant 0.000000e+00 : f32
    %broadcast_in_dim3A_263 = vector.broadcast %jit3A_261 : f32 to vector<32x16xf32>
    %broadcast_in_dim3A_264 = vector.broadcast %jit3A_262 : f32 to vector<32x16xf32>
    %select_n3A_265 = arith.select %eq3A_260, %broadcast_in_dim3A_263, %broadcast_in_dim3A_264 : vector<32x16xi1>, vector<32x16xf32>
    %mul3A_266 = arith.mulf %get3A_4, %select_n3A_265 : vector<32x16xf32>
    %reduce_sum3A_267 = arith.constant dense<0.000000e+00> : vector<32xf32>
    %reduce_sum3A_268 = vector.multi_reduction <add>, %mul3A_266, %reduce_sum3A_267 [1] : vector<32x16xf32> to vector<32xf32>
    %broadcast_in_dim3A_269 = vector.shape_cast %reduce_sum3A_268 : vector<32xf32> to vector<32x1xf32>
    %get3A_270 = arith.constant 13 : index
    %get3A_271 = arith.constant 0 : index
    %get3A_272 = arith.constant 0 : index
    %get3A_273 = vector.load %arg2[%get3A_270, %get3A_271, %get3A_272] : memref<16x32x768xf32, #tpu.memory_space<vmem>>, vector<1x32x768xf32>
    %get3A_274 = vector.shape_cast %get3A_273 : vector<1x32x768xf32> to vector<32x768xf32>
    %mul3A_275 = vector.broadcast %broadcast_in_dim3A_269 : vector<32x1xf32> to vector<32x768xf32>
    %mul3A_276 = arith.mulf %mul3A_275, %get3A_274 : vector<32x768xf32>
    %add3A_277 = arith.addf %add3A_257, %mul3A_276 : vector<32x768xf32>
    %eq3A_278 = arith.constant 14 : i32
    %eq3A_279 = vector.broadcast %eq3A_278 : i32 to vector<32x16xi32>
    %eq3A_280 = arith.cmpi eq, %iota3A, %eq3A_279 : vector<32x16xi32>
    %jit3A_281 = arith.constant 1.000000e+00 : f32
    %jit3A_282 = arith.constant 0.000000e+00 : f32
    %broadcast_in_dim3A_283 = vector.broadcast %jit3A_281 : f32 to vector<32x16xf32>
    %broadcast_in_dim3A_284 = vector.broadcast %jit3A_282 : f32 to vector<32x16xf32>
    %select_n3A_285 = arith.select %eq3A_280, %broadcast_in_dim3A_283, %broadcast_in_dim3A_284 : vector<32x16xi1>, vector<32x16xf32>
    %mul3A_286 = arith.mulf %get3A_4, %select_n3A_285 : vector<32x16xf32>
    %reduce_sum3A_287 = arith.constant dense<0.000000e+00> : vector<32xf32>
    %reduce_sum3A_288 = vector.multi_reduction <add>, %mul3A_286, %reduce_sum3A_287 [1] : vector<32x16xf32> to vector<32xf32>
    %broadcast_in_dim3A_289 = vector.shape_cast %reduce_sum3A_288 : vector<32xf32> to vector<32x1xf32>
    %get3A_290 = arith.constant 14 : index
    %get3A_291 = arith.constant 0 : index
    %get3A_292 = arith.constant 0 : index
    %get3A_293 = vector.load %arg2[%get3A_290, %get3A_291, %get3A_292] : memref<16x32x768xf32, #tpu.memory_space<vmem>>, vector<1x32x768xf32>
    %get3A_294 = vector.shape_cast %get3A_293 : vector<1x32x768xf32> to vector<32x768xf32>
    %mul3A_295 = vector.broadcast %broadcast_in_dim3A_289 : vector<32x1xf32> to vector<32x768xf32>
    %mul3A_296 = arith.mulf %mul3A_295, %get3A_294 : vector<32x768xf32>
    %add3A_297 = arith.addf %add3A_277, %mul3A_296 : vector<32x768xf32>
    %eq3A_298 = arith.constant 15 : i32
    %eq3A_299 = vector.broadcast %eq3A_298 : i32 to vector<32x16xi32>
    %eq3A_300 = arith.cmpi eq, %iota3A, %eq3A_299 : vector<32x16xi32>
    %jit3A_301 = arith.constant 1.000000e+00 : f32
    %jit3A_302 = arith.constant 0.000000e+00 : f32
    %broadcast_in_dim3A_303 = vector.broadcast %jit3A_301 : f32 to vector<32x16xf32>
    %broadcast_in_dim3A_304 = vector.broadcast %jit3A_302 : f32 to vector<32x16xf32>
    %select_n3A_305 = arith.select %eq3A_300, %broadcast_in_dim3A_303, %broadcast_in_dim3A_304 : vector<32x16xi1>, vector<32x16xf32>
    %mul3A_306 = arith.mulf %get3A_4, %select_n3A_305 : vector<32x16xf32>
    %reduce_sum3A_307 = arith.constant dense<0.000000e+00> : vector<32xf32>
    %reduce_sum3A_308 = vector.multi_reduction <add>, %mul3A_306, %reduce_sum3A_307 [1] : vector<32x16xf32> to vector<32xf32>
    %broadcast_in_dim3A_309 = vector.shape_cast %reduce_sum3A_308 : vector<32xf32> to vector<32x1xf32>
    %get3A_310 = arith.constant 15 : index
    %get3A_311 = arith.constant 0 : index
    %get3A_312 = arith.constant 0 : index
    %get3A_313 = vector.load %arg2[%get3A_310, %get3A_311, %get3A_312] : memref<16x32x768xf32, #tpu.memory_space<vmem>>, vector<1x32x768xf32>
    %get3A_314 = vector.shape_cast %get3A_313 : vector<1x32x768xf32> to vector<32x768xf32>
    %mul3A_315 = vector.broadcast %broadcast_in_dim3A_309 : vector<32x1xf32> to vector<32x768xf32>
    %mul3A_316 = arith.mulf %mul3A_315, %get3A_314 : vector<32x768xf32>
    %add3A_317 = arith.addf %add3A_297, %mul3A_316 : vector<32x768xf32>
    %swap3A = arith.constant 0 : index
    %swap3A_318 = arith.constant 0 : index
    %swap3A_319 = vector.load %arg3[%swap3A, %swap3A_318] : memref<32x768xf32, #tpu.memory_space<vmem>>, vector<32x768xf32>
    tpu.vector_store %arg3[%swap3A, %swap3A_318], %add3A_317 {strides = array<i32>} : memref<32x768xf32, #tpu.memory_space<vmem>>, vector<32x768xf32>,
    return
  }
}

</mosaic_0001>

<sc_bundles>
// kernel: kernel.6.cloned.1.call-start
scs
__scs_entry_jumppad:
0x0: {  	(pc) =	sbr.rel $0x88, $3  }
0x1: {  	(tag) =	ssettag $0x0;
	lr =	simm.s32 $0x1  }
0x2: {  	[smem:$0x3F99] =	sst lr;
	_ =	strace $0xD0000000  }
0x3: {  	_ = 	snop  }
0x4: {  	_ = 	snop  }
0x5: {  	_ = 	snop  }
0x6: {  	_ = 	snop  }
0x7: {  	_ = 	snop  }
__scs_overlays_trampoline_lowered:
0x8: {  	[smem:$0x3FA8] =	sst s0  }
0x9: {  	[smem:$0x3FA9] =	sst s1  }
0xa: {  	[smem:$0x3FAA] =	sst s2  }
0xb: {  	[smem:$0x3FAB] =	sst s3  }
0xc: {  	[smem:$0x3FAC] =	sst s4  }
0xd: {  	[smem:$0x3FAD] =	sst s5  }
0xe: {  	[smem:$0x3FAE] =	sst s6  }
0xf: {  	[smem:$0x3FAF] =	sst s7  }
0x10: {  	[smem:$0x3FB0] =	sst s8  }
0x11: {  	[smem:$0x3FB1] =	sst s9;
	s0 =	simm.s32 @!p0 $0x0  }
0x12: {  	s1 =	sld [smem:$0x3F97];
	s0 =	simm.s32 @p0 $0x1  }
0x13: {  	[smem:$0x3FB2] =	sst s0;
	s0 =	simm.s32 @!p1 $0x0  }
0x14: {  	s2 =	sld [smem:$0x3F96];
	s0 =	simm.s32 @p1 $0x1  }
0x15: {  	[smem:$0x3FB3] =	sst s0;
	s0 =	simm.s32 @!p2 $0x0  }
0x16: {  	s3 =	sld [smem:$0x3FDB];
	s0 =	simm.s32 @p2 $0x1  }
0x17: {  	s4 =	simm.s32 $0x1BF5;
	[smem:$0x3FB5] =	sst s0  }
0x18: {  	s0 =	sld [smem:$0x3F98];
	_ =	swait.ge [sflag:s4], $0x0  }
0x19: {  	s7 =	sld [smem:$0x3F99]  }
0x1a: {  	s8 =	sadd.s32 $0xFFFFE003, lr  }
0x1b: {  	s9 =	sadd.s32 $0xFFFFFEF7, lr;
	s5 =	simm.s32 $0xFFFFFFFF;
	p2 =	slt.u32 s8, $0xFFFFF086  }
0x1c: {  	p1 =	slt.u32 s9, $0xF7A;
	s5 =	simm.s32 @!p2 $0x0  }
0x1d: {  	s5 =	simm.s32 @p1 $0x1;
	p0 =	seq.s32 s7, s2  }
0x1e: {  	s7 =	smul.u32 @!p0 $0xF7A, s2;
	p2 =	seq.s32 @!p0 s5, $0x0  }
0x1f: {  	s9 =	smul.u32 $0xF7A, s1;
	s8 =	simm.s32 @!p0 $0x1BF5;
	p2 =	por !p2, p0  }
0x20: {  	[sflag:s8] =	ssyncset.s32 @!p0 $0xFFFFF086;
	s6 =	sadd.s32 @!p0 s3, s7;
	s7 =	simm.s32 @!p0 $0x108  }
0x21: {  	s3 =	sadd.s32 s3, s9;
	s6 =	sadd.s32 @!p0 $0x88, s6;
	s7 =	simm.s32 @p2 $0x1082  }
0x22: {  	[simem:s7], [sflag:s8] =	dma.local @!p0 [hbm:s6], $0xF7A  }
0x23: {  	s9 =	sor.u32 $0xD0000000, s2;
	s6 =	simm.s32 $0x108;
	_ =	swait.ge @!p0 [sflag:s8], $0x0  }
0x24: {  	s3 =	sadd.s32 $0x88, s3;
	s6 =	simm.s32 @!p1 $0x1082;
	[sflag:s4] =	ssyncset.s32 $0xFFFFF086  }
0x25: {  	[simem:s6], [sflag:s4] =	dma.local [hbm:s3], $0xF7A  }
0x26: {  	[smem:$0x3F99] =	sst s1;
	(tag) =	ssettag s2;
	_ =	strace s9  }
0x27: {  	s1 =	sld [smem:$0x3FA9]  }
0x28: {  	s2 =	sld [smem:$0x3FAA]  }
0x29: {  	s4 =	sld [smem:$0x3FAC]  }
0x2a: {  	p0 =	seq.s32 s5, $0x0;
	s5 =	sld [smem:$0x3FAD]  }
0x2b: {  	s6 =	sld [smem:$0x3FAE]  }
0x2c: {  	s7 =	sld [smem:$0x3FAF]  }
0x2d: {  	s3 =	simm.s32 $0x108;
	s8 =	sld [smem:$0x3FB0]  }
0x2e: {  	s3 =	simm.s32 @!p0 $0x1082;
	s9 =	sld [smem:$0x3FB1]  }
0x2f: {  	lr =	sadd.s32 s0, s3;
	s0 =	sld [smem:$0x3FA8]  }
0x30: {  	s3 =	sld [smem:$0x3FAB]  }
0x31: {  	[smem:$0x3FB4] =	sst s10  }
0x32: {  	s10 =	sld [smem:$0x3FB2];
	_ =	sdelay $0x3  }
0x33: {  	p0 =	seq.s32 s10, $0x1;
	s10 =	sld [smem:$0x3FB4];
	_ =	sdelay $0x3  }
0x34: {  	[smem:$0x3FB4] =	sst s10  }
0x35: {  	s10 =	sld [smem:$0x3FB3];
	_ =	sdelay $0x3  }
0x36: {  	p1 =	seq.s32 s10, $0x1;
	s10 =	sld [smem:$0x3FB4];
	_ =	sdelay $0x3  }
0x37: {  	[smem:$0x3FB4] =	sst s10  }
0x38: {  	s10 =	sld [smem:$0x3FB5]  }
0x39: {  	_ = 	snop;
	(pc) =	sbr.ind lr, $3  }
0x3a: {  	_ = 	snop  }
0x3b: {  	_ = 	snop  }
0x3c: {  	p2 =	seq.s32 s10, $0x1;
	s10 =	sld [smem:$0x3FB4]  }
0x3d: {  	_ =	shalt  }
0x3e: {  	_ =	shalt  }
0x3f: {  	_ =	shalt  }
0x40: {  	_ =	shalt  }
0x41: {  	_ =	shalt  }
0x42: {  	_ =	shalt  }
0x43: {  	_ =	shalt  }
0x44: {  	_ =	shalt  }
0x45: {  	_ =	shalt  }
0x46: {  	_ =	shalt  }
0x47: {  	_ =	shalt  }
0x48: {  	_ =	shalt  }
0x49: {  	_ =	shalt  }
0x4a: {  	_ =	shalt  }
0x4b: {  	_ =	shalt  }
0x4c: {  	_ =	shalt  }
0x4d: {  	_ =	shalt  }
0x4e: {  	_ =	shalt  }
0x4f: {  	_ =	shalt  }
0x50: {  	_ =	shalt  }
0x51: {  	_ =	shalt  }
0x52: {  	_ =	shalt  }
0x53: {  	_ =	shalt  }
0x54: {  	_ =	shalt  }
0x55: {  	_ =	shalt  }
0x56: {  	_ =	shalt  }
0x57: {  	_ =	shalt  }
0x58: {  	_ =	shalt  }
0x59: {  	_ =	shalt  }
0x5a: {  	_ =	shalt  }
0x5b: {  	_ =	shalt  }
0x5c: {  	_ =	shalt  }
0x5d: {  	_ =	shalt  }
0x5e: {  	_ =	shalt  }
0x5f: {  	_ =	shalt  }
0x60: {  	_ =	shalt  }
0x61: {  	_ =	shalt  }
0x62: {  	_ =	shalt  }
0x63: {  	_ =	shalt  }
0x64: {  	_ =	shalt  }
0x65: {  	_ =	shalt  }
0x66: {  	_ =	shalt  }
0x67: {  	_ =	shalt  }
0x68: {  	_ =	shalt  }
0x69: {  	_ =	shalt  }
0x6a: {  	_ =	shalt  }
0x6b: {  	_ =	shalt  }
0x6c: {  	_ =	shalt  }
0x6d: {  	_ =	shalt  }
0x6e: {  	_ =	shalt  }
0x6f: {  	_ =	shalt  }
0x70: {  	_ =	shalt  }
0x71: {  	_ =	shalt  }
0x72: {  	_ =	shalt  }
0x73: {  	_ =	shalt  }
0x74: {  	_ =	shalt  }
0x75: {  	_ =	shalt  }
0x76: {  	_ =	shalt  }
0x77: {  	_ =	shalt  }
0x78: {  	_ =	shalt  }
0x79: {  	_ =	shalt  }
0x7a: {  	_ =	shalt  }
0x7b: {  	_ =	shalt  }
0x7c: {  	_ =	shalt  }
0x7d: {  	_ =	shalt  }
0x7e: {  	_ =	shalt  }
0x7f: {  	_ =	shalt  }
0x80: {  	_ =	shalt  }
0x81: {  	_ =	shalt  }
0x82: {  	_ =	shalt  }
0x83: {  	_ =	shalt  }
0x84: {  	_ =	shalt  }
0x85: {  	_ =	shalt  }
0x86: {  	_ =	shalt  }
0x87: {  	_ =	shalt  }
.Lfunc_end0:
.L_simem_size_0:
called_computation_lowered:
.L_overlay_start_0:
0x88: {  	s2 =	sld [smem:$0x3FD9]  }
0x89: {  	s3 =	sld [smem:$0x3FFE];
	_ =	sdelay $0x1  }
0x8a: {  	s1 =	srdreg.scid  }
0x8b: {  	s0 =	sand.u32 $0x1, s1  }
0x8c: {  	s17 =	sshll.u32 s0, $0xA;
	s2 =	sadd.s32 s3, s2  }
0x8d: {  	s2 =	sadd.s32 s2, s17  }
0x8e: {  	[smem:$0x3FC0] =	sst s2  }
0x8f: {  	_ = 	snop  }
0x90: {  	s2 =	sld [smem:$0x3FD0];
	(tm) =	ssettm $0x1  }
0x91: {  	s18 =	sld [smem:$0x3FFB];
	_ =	sdelay $0x3  }
0x92: {  	_ =	strace s18  }
0x93: {  	s3 =	sld [smem:$0x3FFC];
	_ =	sdelay $0x3  }
0x94: {  	_ =	strace s3  }
0x95: {  	s3 =	sld [smem:$0x3FFD];
	_ =	sdelay $0x3  }
0x96: {  	_ =	strace s3  }
0x97: {  	_ =	strace $0x8FFFFFFF  }
0x98: {  	s19 =	sld [smem:$0x3FDB];
	_ =	sdelay $0x1  }
0x99: {  	s4 =	simm.s32 $_scs_section_size  }
0x9a: {  	s5 =	simm.s32 $_size__tile_overlayer_lowered;
	s6 =	simm.s32 $_tile_overlayer_lowered  }
0x9b: {  	s22 =	simm.s32 $0x1BFF;
	s21 =	sshll.u32 s6, $0x1;
	s3 =	sadd.s32 s4, s19  }
0x9c: {  	s7 =	simm.s32 $0x0;
	s20 =	sshll.u32 s5, $0x1;
	s5 =	sadd.s32 s21, s3  }
0x9d: {  	[timem:s7], [sflag:s22] =	dma.local [hbm:s5], s20  }
0x9e: {  	_ =	swait.ge [sflag:s22], s20  }
0x9f: {  	s4 =	ssub.s32 $0x0, s20;
	[sflag:s22] =	ssyncset.done $0x0  }
0xa0: {  	[sflag:s22] =	ssyncadd.s32 s4;
	_ =	sdelay $0x1  }
0xa1: {  	s23 =	simm.s32 $0x1B8B  }
0xa2: {  	_ =	swait.ge [sflag:s23], $0x1  }
0xa3: {  	[sflag:s23] =	ssyncset.done $0x0  }
0xa4: {  	s25 =	simm.s32 $0x1B8E;
	s24 =	sld [smem:$0x3FFE];
	[sflag:s23] =	ssyncadd.s32 $0xFFFFFFFF  }
0xa5: {  	s26 =	simm.s32 $execute0_lowered;
	[smem:$0x3FD2] =	sst s25  }
0xa6: {  	s5 =	sshll.u32 s26, $0x1;
	_ =	strace $0x80000046;
	[dreg:$0x1] =	wrdreg $0xFFFFFFFF  }
0xa7: {  	s28 =	simm.s32 $_size_execute0_lowered;
	s3 =	sadd.s32 s3, s5;
	[dreg:$0x0] =	wrdreg $0x0  }
0xa8: {  	s5 =	sshll.u32 s28, $0x1;
	[dreg:$0x2] =	wrdreg s3  }
0xa9: {  	[dreg:$0x3] =	wrdreg s5  }
0xaa: {  	[dreg:$0x4] =	wrdreg $0xC0  }
0xab: {  	_ =	task [dreg:s7], $0x5FFFF  }
0xac: {  	[dreg:$0x1] =	wrdreg $0xFFFFFFFF  }
0xad: {  	[dreg:$0x0] =	wrdreg $0x60  }
0xae: {  	[dreg:$0x2] =	wrdreg s2  }
0xaf: {  	[dreg:$0x3] =	wrdreg s24  }
0xb0: {  	[dreg:$0x4] =	wrdreg $0x9  }
0xb1: {  	_ =	task.clear_ibuf [dreg:s7], $0x5FFFF;
	_ =	strace $0x90000046  }
0xb2: {  	s29 =	simm.s32 $0x9;
	_ =	strace $0x80000048  }
0xb3: {  	_ =	swait.ge [sflag:s29], $0x1  }
0xb4: {  	[sflag:s29] =	ssyncadd.s32 $0xFFFFFFFF  }
0xb5: {  	_ =	strace $0x90000048  }
0xb6: {  	_ =	sfence  }
0xb7: {  	s30 =	sld [smem:$0x0];
	_ =	sdelay $0x2  }
0xb8: {  	s31 =	sshll.u32 s1, $0xD;
	s1 =	sshrl.u32 s1, $0x2  }
0xb9: {  	s3 =	sand.u32 $0x4000, s31;
	s1 =	sadd.s32 s1, s30  }
0xba: {  	s0 =	sor.u32 s3, s0;
	s1 =	sshll.u32 s1, $0x11  }
0xbb: {  	s0 =	sor.u32 s1, s0  }
0xbc: {  	s0 =	sadd.s32 $0x8F2B, s0  }
0xbd: {  	[sflag:s0] =	ssyncadd.remote.s32 $0x1  }
0xbe: {  	_ =	sfence.sel $0xFFFF  }
0xbf: {  	[dreg:$0x0] =	wrdreg $0xFFFFFFFF;
	(pc) =	sbr.abs _section_cstart, $3  }
0xc0: {  	[dreg:$0x1] =	wrdreg $0xFFFFFFFF  }
0xc1: {  	_ =	task.clear_ibuf [dreg:s7], $0x2FFFF;
	_ =	strace $0x9FFFFFFF  }
0xc2: {  	(tm) =	ssettm $0x7FFFFFFF  }
0xc3: {  	_ =	shalt  }
tec
execute0_lowered:
.L_overlay_start_1:
0x0: {  	(tag) =	ssettag $0x1  }
0x1: {  	s3 =	rddreg [dreg:$0x0]  }
0x2: {  	s5 =	rddreg [dreg:$0x1];
	s2 =	srdreg.scid  }
0x3: {  	s0 =	rddreg [dreg:$0x2];
	s1 =	stileid.u32;
	s6 =	sand.u32 $0x1, s2  }
0x4: {  	s2 =	simm.s32 $0x0;
	s4 =	sshll.u32 s1, $0x5;
	s7 =	sshll.u32 s6, $0x4  }
0x5: {  	[smem:$0x7FF] =	sst s2;
	s7 =	sor.u32 s7, s4  }
0x6: {  	_ =	strace $0x80000047;
	s4 =	sadd.s32 s3, s7;
	s3 =	simm.s32 $0x1  }
0x7: {  	[tilespmem:s2], [sflag:$0x1] =	stream.linear.gather [hbm4b:s4+s2], $0x80, $0x38;
	[tilespmem:$0x100] =	vst v63  }
0x8: {  	_ =	swait.ge [sflag:s3], $0x80  }
0x9: {  	[sflag:s3] =	ssyncset.done $0x0  }
0xa: {  	[sflag:s3] =	ssyncadd.s32 $0xFFFFFF80  }
0xb: {  	v2 =	vld [tilespmem:$0x0];
	_ =	sdelay $0x4  }
0xc: {  	(xrf0) =	vmax.scan.msk.f32 $0xffff, v2;
	_ =	sdelay $0x5  }
0xd: {  	v3, _, _ =	vpop (xrf0)  }
0xe: {  	v4 =	vbroadcast v3, $0xF  }
0xf: {  	v0 =	vlaneseq.u32  }
0x10: {  	v1 =	vor.u32 $0x80000000, v0;
	vm0 =	veq.f32 v2, v4  }
0x11: {  	v4 =	vnsel vm0, $0x80000010, v1  }
0x12: {  	(xrf0) =	vmin.scan.msk.u32 $0xffff, v4;
	_ =	sdelay $0x5  }
0x13: {  	v4, _, _ =	vpop (xrf0)  }
0x14: {  	(v2sf) =	vpush v4, $0xF;
	_ =	sdelay $0xe  }
0x15: {  	s8 =	spop (v2sf)  }
0x16: {  	s8 =	sxor.u32 $0x80000000, s8  }
0x17: {  	v61 =	vmov s8  }
0x18: {  	vm14 =	veq.s32 v61, v0  }
0x19: {  	v2 =	vsel vm14, $0xFF800000, v2  }
0x1a: {  	(xrf0) =	vmax.scan.msk.f32 $0xffff, v2;
	_ =	sdelay $0x5  }
0x1b: {  	(v2sf) =	vpush v3, $0xF;
	v3, _, _ =	vpop (xrf0)  }
0x1c: {  	(v2sf) =	vpush v3, $0xF;
	_ =	sdelay $0xd  }
0x1d: {  	s28 =	spop (v2sf)  }
0x1e: {  	s9 =	spop (v2sf)  }
0x1f: {  	s8 =	ssub.f32 s9, s28  }
0x20: {  	v3 =	vbroadcast v3, $0xF  }
0x21: {  	v62 =	vmov s8  }
0x22: {  	vm1 =	veq.f32 v2, v3;
	v2 =	vmul.f32 $1.442695020e+00, v62  }
0x23: {  	v3 =	vnsel vm1, $0x80000010, v1  }
0x24: {  	(xrf0) =	vmin.scan.msk.u32 $0xffff, v3;
	v2 =	vbroadcast v2, $0x0;
	_ =	sdelay $0x1  }
0x25: {  	(erf) = vpow2.f32 v2;
	_ =	sdelay $0x3  }
0x26: {  	v2, _, _ =	vpop (xrf0)  }
0x27: {  	(v2sf) =	vpush v2, $0xF;
	_ =	sdelay $0x3  }
0x28: {  	v2 =	vpop (erf)  }
0x29: {  	v3 =	vadd.f32 $1.000000000e+00, v2;
	_ =	sdelay $0x1  }
0x2a: {  	(erf) = vrcp.f32 v3;
	_ =	sdelay $0x7  }
0x2b: {  	s29 =	spop (v2sf)  }
0x2c: {  	s6 =	ssub.s32 $0x2, s6;
	s8 =	sxor.u32 $0x80000000, s29;
	v3 =	vpop (erf)  }
0x2d: {  	s30 =	sshrl.u32 s6, $0x1;
	v63 =	vmov s8;
	v2 =	vmul.f32 v3, v2  }
0x2e: {  	s6 =	ssub.s32 s6, s30;
	vm15 =	veq.s32 v63, v0  }
0x2f: {  	s31 =	smax.u32 s6, $0x1;
	v3 =	vnsel vm14, $0x0, v3;
	v2 =	vnsel vm15, $0x0, v2  }
0x30: {  	p0 =	sne.s32 s31, $0x1;
	v2 =	vadd.f32 v2, v3  }
.Ltmp0:
0x31: {  	s5 =	sadd.s32 s7, s5;
	(pc) =	sbr.rel @!p0 .LBB2_2-.Ltmp0, $4  }
0x32: {  	s5 =	sadd.s32 $0x1600, s5;
	s6 =	simm.s32 $0x80;
	[tilespmem:$0x80] =	vst v2  }
0x33: {  	[hbm4b:s5+s2] =	stream.linear.scatter [tilespmem:s6], [sflag:$0x1], $0x80, $0x38;
	[tilespmem:$0x100] =	vst v63  }
0x34: {  	_ =	swait.ge [sflag:s3], $0x80  }
0x35: {  	s7 =	sadd.s32 $0xFFFFFFFF, s31;
	[sflag:s3] =	ssyncset.done $0x0  }
.LBB2_1:
0x36: {  	p0 =	sne.s32 s7, $0x1;
	s7 =	sadd.s32 $0xFFFFFFFF, s7;
	[sflag:s3] =	ssyncadd.s32 $0xFFFFFF80  }
0x37: {  	[tilespmem:s2], [sflag:$0x1] =	stream.linear.gather [hbm4b:s4+s2], $0x80, $0x38;
	[tilespmem:$0x100] =	vst v63  }
0x38: {  	_ =	swait.ge [sflag:s3], $0x80  }
0x39: {  	[sflag:s3] =	ssyncset.done $0x0  }
0x3a: {  	[sflag:s3] =	ssyncadd.s32 $0xFFFFFF80  }
0x3b: {  	v2 =	vld [tilespmem:$0x0];
	_ =	sdelay $0x4  }
0x3c: {  	(xrf0) =	vmax.scan.msk.f32 $0xffff, v2;
	_ =	sdelay $0x5  }
0x3d: {  	v3, _, _ =	vpop (xrf0)  }
0x3e: {  	v4 =	vbroadcast v3, $0xF;
	_ =	sdelay $0x1  }
0x3f: {  	vm0 =	veq.f32 v2, v4  }
0x40: {  	v4 =	vnsel vm0, $0x80000010, v1  }
0x41: {  	(xrf0) =	vmin.scan.msk.u32 $0xffff, v4;
	_ =	sdelay $0x5  }
0x42: {  	v4, _, _ =	vpop (xrf0)  }
0x43: {  	(v2sf) =	vpush v4, $0xF;
	_ =	sdelay $0xe  }
0x44: {  	s8 =	spop (v2sf)  }
0x45: {  	s8 =	sxor.u32 $0x80000000, s8  }
0x46: {  	v4 =	vmov s8  }
0x47: {  	vm0 =	veq.s32 v4, v0  }
0x48: {  	v2 =	vsel vm0, $0xFF800000, v2  }
0x49: {  	(xrf0) =	vmax.scan.msk.f32 $0xffff, v2;
	_ =	sdelay $0x5  }
0x4a: {  	(v2sf) =	vpush v3, $0xF;
	v3, _, _ =	vpop (xrf0)  }
0x4b: {  	v4 =	vbroadcast v3, $0xF;
	(v2sf) =	vpush v3, $0xF;
	_ =	sdelay $0x1  }
0x4c: {  	vm1 =	veq.f32 v2, v4  }
0x4d: {  	v2 =	vnsel vm1, $0x80000010, v1  }
0x4e: {  	(xrf0) =	vmin.scan.msk.u32 $0xffff, v2;
	_ =	sdelay $0x5  }
0x4f: {  	v2, _, _ =	vpop (xrf0)  }
0x50: {  	(v2sf) =	vpush v2, $0xF;
	_ =	sdelay $0x2  }
0x51: {  	s8 =	spop (v2sf)  }
0x52: {  	s9 =	spop (v2sf)  }
0x53: {  	s8 =	ssub.f32 s9, s8;
	_ =	sdelay $0x1  }
0x54: {  	v2 =	vmov s8  }
0x55: {  	v2 =	vmul.f32 $1.442695020e+00, v2;
	_ =	sdelay $0x1  }
0x56: {  	v2 =	vbroadcast v2, $0x0;
	_ =	sdelay $0x1  }
0x57: {  	(erf) = vpow2.f32 v2;
	_ =	sdelay $0x2  }
0x58: {  	s8 =	spop (v2sf)  }
0x59: {  	s8 =	sxor.u32 $0x80000000, s8  }
0x5a: {  	v2 =	vmov s8;
	_ =	sdelay $0x3  }
0x5b: {  	v3 =	vpop (erf)  }
0x5c: {  	v4 =	vadd.f32 $1.000000000e+00, v3;
	_ =	sdelay $0x1  }
0x5d: {  	(erf) = vrcp.f32 v4;
	_ =	sdelay $0x8  }
0x5e: {  	v4 =	vpop (erf)  }
0x5f: {  	v3 =	vmul.f32 v4, v3;
	v4 =	vnsel vm0, $0x0, v4  }
0x60: {  	vm0 =	veq.s32 v2, v0  }
0x61: {  	v2 =	vnsel vm0, $0x0, v3  }
0x62: {  	v2 =	vadd.f32 v2, v4  }
.Ltmp1:
0x63: {  	(pc) =	sbr.rel @p0 .LBB2_1-.Ltmp1, $4  }
0x64: {  	[tilespmem:$0x80] =	vst v2  }
0x65: {  	[hbm4b:s5+s2] =	stream.linear.scatter [tilespmem:s6], [sflag:$0x1], $0x80, $0x38;
	[tilespmem:$0x100] =	vst v63  }
0x66: {  	_ =	swait.ge [sflag:s3], $0x80  }
0x67: {  	[sflag:s3] =	ssyncset.done $0x0  }
.LBB2_2:
0x68: {  	[sflag:s3] =	ssyncadd.s32 $0xFFFFFF80  }
0x69: {  	_ =	sfence.sel $0x180000  }
0x6a: {  	[bflag:$0x0] =	sbarrier.arrive $0xFFFF  }
0x6b: {  	p0 =	sne.s32 s1, $0x0;
	_ =	strace $0x90000047  }
0x6c: {  	s0 =	sadd.s32 @!p0 $0x100000, s0;
	[bflag:$0x2] =	sbarrier.arrive $0xFFFF  }
0x6d: {  	[sflag:s0] =	ssyncadd.tile.s32 @!p0 $0x1;
	_ =	shalt  }
.Lfunc_end2:
_tile_overlayer_lowered:
.L_overlay_start_2:
0x6e: {  	(tag) =	ssettag $0x2  }
0x6f: {  	s0 =	rddreg [dreg:$0x0];
	s2 =	stileid.u32  }
0x70: {  	s1 =	rddreg [dreg:$0x1];
	p0 =	sne.s32 s2, $0x0  }
0x71: {  	s3 =	rddreg [dreg:$0x2];
	[bflag:$0x3] =	sbarrier.arrive $0xFFFF;
	s2 =	simm.s32 @!p0 $0x1C01  }
0x72: {  	[timem:s3], [sflag:s2] =	dma.local @!p0 [hbm:s0], s1  }
0x73: {  	s0 =	simm.s32 @!p0 $0x1  }
0x74: {  	_ =	swait.ge @!p0 [sflag:s0], s1  }
0x75: {  	s1 =	ssub.s32 @!p0 $0x0, s1;
	[sflag:s0] =	ssyncset.done @!p0 $0x0  }
0x76: {  	[sflag:s0] =	ssyncadd.s32 @!p0 s1  }
0x77: {  	[bflag:$0x3] =	sbarrier.arrive $0xFFFF  }
0x78: {  	_ =	shalt  }

</sc_bundles>
